<compile_context>
chip_gen: v7x
topology: tpu7x:2x2x1
jax: 0.10.2.dev20260603
libtpu: 0.0.44.dev20260713+nightly
codegen_flags: <defaults>
</compile_context>

<pallas_src>
import dataclasses

import jax
import jax.numpy as jnp
from jax import lax
from jax.experimental import pallas as pl
from jax.experimental.pallas import tpu as pltpu
from jax.experimental.pallas import tpu_sc as plsc

E, D, H = 8, 1024, 64
B, T = 2, 2048
TQ = 1024
NQ = T // TQ
HALF = 512
SCALE = 1.0 / (H ** 0.5)
L = 16

_SC_MESH = plsc.VectorSubcoreMesh(core_axis_name="c", subcore_axis_name="s")
_SC_PARAMS = pltpu.CompilerParams()
if "needs_layout_passes" in pltpu.CompilerParams.__dataclass_fields__:
    _SC_PARAMS = dataclasses.replace(_SC_PARAMS, needs_layout_passes=False)


def _attn_kernel(x_ref, w_ref, sha_ref, ent_ref, q_buf, k_buf, v_buf):
    qi = pl.program_id(2)

    @pl.when(qi == 0)
    def _init():
        qkv = jnp.dot(x_ref[0], w_ref[0],
                      preferred_element_type=jnp.float32)
        q_buf[...] = (qkv[:, 0:H] * SCALE).astype(jnp.bfloat16)
        k_buf[...] = qkv[:, H:2 * H].astype(jnp.bfloat16)
        v_buf[...] = qkv[:, 2 * H:3 * H].astype(jnp.bfloat16)
        ent_ref[0, 0, 0] = 0.0

    ent = 0.0
    for h in range(TQ // HALF):
        qh = q_buf[pl.ds(qi * TQ + h * HALF, HALF), :]
        s = jax.lax.dot_general(qh, k_buf[...], (((1,), (1,)), ((), ())),
                                preferred_element_type=jnp.float32)
        e = jnp.exp(s)
        z = jnp.sum(e, axis=1, keepdims=True)
        eu = jnp.sum(e * s, axis=1, keepdims=True)
        inv_z = 1.0 / z
        sha_ref[0, 0, h * HALF:(h + 1) * HALF, :] = jnp.dot(
            e.astype(jnp.bfloat16), v_buf[...],
            preferred_element_type=jnp.float32) * inv_z
        ent += jnp.sum(jnp.log(z) - eu * inv_z)
    ent_ref[0, 0, 0] += ent


def _sc_gate_body(ent_hbm, gates_hbm, logits_hbm, mask_hbm, norm_hbm, fb_hbm,
                  ent_v, gates_v, logits_v, mask_v, norm_v, fb_v):
    cid = lax.axis_index("c")
    sid = lax.axis_index("s")

    @pl.when(jnp.logical_and(cid == 0, sid == 0))
    def _():
        pltpu.sync_copy(ent_hbm, ent_v)
        pltpu.sync_copy(gates_hbm, gates_v)
        lane = lax.iota(jnp.int32, L)
        valid = lane < E
        g = gates_v[0]
        sig = 1.0 / (1.0 + jnp.exp(-g))
        fb = jnp.zeros((L,), jnp.int32)
        for b in range(B):
            aff = -(ent_v[b] * (1.0 / T))
            affm = jnp.where(valid, aff, 0.0)
            mean = jnp.broadcast_to(jnp.sum(affm), (L,)) * (1.0 / E)
            d = jnp.where(valid, aff - mean, 0.0)
            var = jnp.broadcast_to(jnp.sum(d * d), (L,)) * (1.0 / (E - 1))
            vb = jnp.maximum(var, 1e-30)
            ii = lax.bitcast_convert_type(vb, jnp.int32)
            magic = jnp.full((L,), 0x5F3759DF, jnp.int32)
            y = lax.bitcast_convert_type(
                magic - lax.shift_right_arithmetic(ii, 1), jnp.float32)
            for _ in range(3):
                y = y * (1.5 - 0.5 * vb * y * y)
            std = vb * y
            logits = d / (std + 1e-9) - sig
            hard = jnp.where(jnp.logical_and(valid, logits > 0), 1.0, 0.0)
            na = jnp.broadcast_to(jnp.sum(hard), (L,))
            inact = na == 0.0
            mx = jnp.broadcast_to(jnp.max(jnp.where(valid, aff, -1e30)), (L,))
            ismax = jnp.logical_and(valid, aff >= mx)
            fidx = plsc.all_reduce_ffs(ismax)
            onehot = jnp.where(lane == fidx, 1.0, 0.0)
            maskv = jnp.where(inact, onehot, hard)
            na2 = jnp.broadcast_to(jnp.sum(maskv), (L,))
            normv = maskv / jnp.maximum(na2, 1.0)
            logits_v[b] = logits
            mask_v[b] = maskv
            norm_v[b] = normv
            fb = fb + jnp.where(inact, 1, 0)
        fb_v[0] = fb
        pltpu.sync_copy(logits_v, logits_hbm)
        pltpu.sync_copy(mask_v, mask_hbm)
        pltpu.sync_copy(norm_v, norm_hbm)
        pltpu.sync_copy(fb_v, fb_hbm)


def _combine_kernel(sha_ref, norm_ref, ow_ref, out_ref):
    combined = sha_ref[0, 0] * norm_ref[0, 0, 0]
    oproj = ow_ref[0] * norm_ref[0, 0, 0]
    for e in range(1, E):
        combined = combined + sha_ref[0, e] * norm_ref[0, 0, e]
        oproj = oproj + ow_ref[e] * norm_ref[0, 0, e]
    out_ref[0] = jnp.dot(combined.astype(jnp.bfloat16),
                         oproj.astype(jnp.bfloat16),
                         preferred_element_type=jnp.float32)


@jax.jit
def kernel(hidden_states, Wq, Wk, Wv, gates, o_weights):
    x_bf = hidden_states.astype(jnp.bfloat16)
    w_all = jnp.concatenate([Wq, Wk, Wv], axis=2).astype(jnp.bfloat16)

    sha_bet, ent_sum = pl.pallas_call(
        _attn_kernel,
        grid=(B, E, NQ),
        in_specs=[
            pl.BlockSpec((1, T, D), lambda b, m, q: (b, 0, 0)),
            pl.BlockSpec((1, D, 3 * H), lambda b, m, q: (m, 0, 0)),
        ],
        out_specs=[
            pl.BlockSpec((1, 1, TQ, H), lambda b, m, q: (b, m, q, 0)),
            pl.BlockSpec((1, 1, 1), lambda b, m, q: (b * E + m, 0, 0),
                         memory_space=pltpu.SMEM),
        ],
        out_shape=[
            jax.ShapeDtypeStruct((B, E, T, H), jnp.float32),
            jax.ShapeDtypeStruct((B * E, 1, 1), jnp.float32),
        ],
        scratch_shapes=[
            pltpu.VMEM((T, H), jnp.bfloat16),
            pltpu.VMEM((T, H), jnp.bfloat16),
            pltpu.VMEM((T, H), jnp.bfloat16),
        ],
    )(x_bf, w_all)

    ent16 = jnp.pad(ent_sum.reshape(B, E), ((0, 0), (0, L - E)))
    gates16 = jnp.pad(gates.reshape(1, E), ((0, 0), (0, L - E)))
    logits16, mask16, norm16, fb16 = pl.kernel(
        _sc_gate_body,
        out_type=[
            jax.ShapeDtypeStruct((B, L), jnp.float32),
            jax.ShapeDtypeStruct((B, L), jnp.float32),
            jax.ShapeDtypeStruct((B, L), jnp.float32),
            jax.ShapeDtypeStruct((1, L), jnp.int32),
        ],
        mesh=_SC_MESH,
        compiler_params=_SC_PARAMS,
        scratch_types=[
            pltpu.VMEM((B, L), jnp.float32),
            pltpu.VMEM((1, L), jnp.float32),
            pltpu.VMEM((B, L), jnp.float32),
            pltpu.VMEM((B, L), jnp.float32),
            pltpu.VMEM((B, L), jnp.float32),
            pltpu.VMEM((1, L), jnp.int32),
        ],
    )(ent16, gates16)
    logits = logits16[:, :E]
    mask = mask16[:, :E]
    norm = norm16[:, :E]

    final = pl.pallas_call(
        _combine_kernel,
        grid=(B,),
        in_specs=[
            pl.BlockSpec((1, E, T, H), lambda b: (b, 0, 0, 0)),
            pl.BlockSpec((1, 1, E), lambda b: (b, 0, 0),
                         memory_space=pltpu.SMEM),
            pl.BlockSpec((E, H, D), lambda b: (0, 0, 0)),
        ],
        out_specs=pl.BlockSpec((1, T, D), lambda b: (b, 0, 0)),
        out_shape=jax.ShapeDtypeStruct((B, T, D), jnp.float32),
    )(sha_bet, norm.reshape(B, 1, E), o_weights)

    all_sha_outputs = jnp.transpose(sha_bet, (0, 2, 1, 3))
    return final, all_sha_outputs, logits, mask, fb16[0, 0]

# --- scband reference (transcript-rebuilt; emitter-appended) ---
"""Pipeline reference for scband-dyn-smhalayer-30253749633126 (READ-ONLY COPY).

The authoritative reference and input builder live on the scoring server;
editing this copy changes nothing except your own understanding.
"""

import jax, jax.numpy as jnp
import numpy as np

E, D, H = 8, 1024, 64
B, T = 2, 2048
K_FALLBACK = 1

def setup_inputs(seed: int = 0):
    key = jax.random.key(seed)
    ks = jax.random.split(key, 6)
    return {
        "hidden_states": jax.random.normal(ks[0], (B, T, D), dtype=jnp.float32),
        "Wq": jax.random.normal(ks[1], (E, D, H), dtype=jnp.float32) * 0.02,
        "Wk": jax.random.normal(ks[2], (E, D, H), dtype=jnp.float32) * 0.02,
        "Wv": jax.random.normal(ks[3], (E, D, H), dtype=jnp.float32) * 0.02,
        "gates": jnp.zeros((E,), dtype=jnp.float32),
        "o_weights": jax.random.normal(ks[4], (E, H, D), dtype=jnp.float32) * 0.02,
    }

def _forward(x, Wq, Wk, Wv, gates, o_weights):
    scale = 1.0 / (H ** 0.5)
    # per-expert single-head attention (experts stacked on axis m)
    all_q = jnp.einsum('btd,mdh->bmth', x, Wq)
    all_k = jnp.einsum('btd,mdh->bmth', x, Wk)
    all_v = jnp.einsum('btd,mdh->bmth', x, Wv)
    attn_scores = jnp.einsum('bmth,bmjh->bmtj', all_q, all_k) * scale
    attn_probs = jax.nn.softmax(attn_scores, axis=-1)
    sha_out = jnp.einsum('bmtj,bmjh->bmth', attn_probs, all_v)
    all_sha_outputs = jnp.transpose(sha_out, (0, 2, 1, 3))  # [B, T, M, H]
    # gating network (recomputes identical attn scores/probs)
    entropy = -jnp.sum(attn_probs * jnp.log(attn_probs + 1e-9), axis=-1)  # [B, M, T]
    mean_entropy = entropy.mean(axis=-1)  # [B, M]
    affinity = -mean_entropy
    affinity = (affinity - affinity.mean(axis=-1, keepdims=True)) / (affinity.std(axis=-1, ddof=1, keepdims=True) + 1e-9)
    pre_activation_logits = affinity - jax.nn.sigmoid(gates)[None, :]
    hard = (pre_activation_logits > 0).astype(pre_activation_logits.dtype)
    activation_mask = pre_activation_logits + jax.lax.stop_gradient(hard - pre_activation_logits)  # STE
    num_active = jnp.sum(jax.lax.stop_gradient(hard), axis=1)
    inactive = num_active == 0  # [B]
    _, fb_idx = jax.lax.top_k(affinity, K_FALLBACK)
    fb_onehot = jnp.sum(jax.nn.one_hot(fb_idx, E, dtype=activation_mask.dtype), axis=1)  # [B, E]
    activation_mask = jnp.where(inactive[:, None], jnp.where(fb_onehot > 0, jnp.ones_like(activation_mask), activation_mask), activation_mask)
    fallback_count = jnp.sum(inactive).astype(jnp.int32)
    num_active2 = jnp.sum(activation_mask, axis=1, keepdims=True)
    normalized_mask = activation_mask / jnp.clip(num_active2, 1.0, None)
    combined_heads = jnp.einsum('btmh,bm->bth', all_sha_outputs, normalized_mask)
    dynamic_o_proj = jnp.einsum('mhd,bm->bhd', o_weights, normalized_mask)
    final_output = jnp.einsum('bth,bhd->btd', combined_heads, dynamic_o_proj)
    return final_output, all_sha_outputs, pre_activation_logits, activation_mask, fallback_count

def reference(hidden_states, Wq, Wk, Wv, gates, o_weights):
    return _forward(hidden_states, Wq, Wk, Wv, gates, o_weights)

if __name__ == "__main__":
    import jax
    _d = setup_inputs()
    print(jax.jit(kernel)(*tuple(_d.values())))

</pallas_src>

<mosaic_0001>
#map = affine_map<(d0, d1) -> (0, 0)>
module attributes {stable_mosaic.version = 14 : i64} {
  func.func @_sc_gate_body(%arg0: i32, %arg1: i32, %arg2: memref<2x16xf32, #tpu.memory_space<hbm>>, %arg3: memref<1x16xf32, #tpu.memory_space<hbm>>, %arg4: memref<2x16xf32, #tpu.memory_space<hbm>>, %arg5: memref<2x16xf32, #tpu.memory_space<hbm>>, %arg6: memref<2x16xf32, #tpu.memory_space<hbm>>, %arg7: memref<1x16xi32, #tpu.memory_space<hbm>>, %arg8: memref<2x16xf32, #tpu.memory_space<vmem>>, %arg9: memref<1x16xf32, #tpu.memory_space<vmem>>, %arg10: memref<2x16xf32, #tpu.memory_space<vmem>>, %arg11: memref<2x16xf32, #tpu.memory_space<vmem>>, %arg12: memref<2x16xf32, #tpu.memory_space<vmem>>, %arg13: memref<1x16xi32, #tpu.memory_space<vmem>>) attributes {dimension_semantics = [#tpu.dimension_semantics<core_parallel>, #tpu.dimension_semantics<subcore_parallel>], iteration_bounds = array<i64: 2, 16>, scalar_prefetch = 0 : i64, scratch_operands = 6 : i64, tpu.core_type = #tpu.core_type<sc_vector_subcore>, window_params = [{transform_indices = #map}, {transform_indices = #map}, {transform_indices = #map}, {transform_indices = #map}, {transform_indices = #map}, {transform_indices = #map}]} {
    %eq3A = arith.constant 0 : i32
    %eq3A_0 = arith.cmpi eq, %arg0, %eq3A : i32
    %eq3A_1 = arith.constant 0 : i32
    %eq3A_2 = arith.cmpi eq, %arg1, %eq3A_1 : i32
    %and3A = arith.andi %eq3A_0, %eq3A_2 : i1
    %convert_element_type3A = arith.extui %and3A : i1 to i32
    %cond3A = arith.constant 0 : i32
    %cond3A_3 = arith.cmpi ne, %convert_element_type3A, %cond3A : i32
    scf.if %cond3A_3 {
      "tpu.region"() ({
        %run_scoped3A = tpu.sem_alloc : memref<!tpu.dma_semaphore, #tpu.memory_space<semaphore_mem>>
        tpu.enqueue_dma source(%arg2 : memref<2x16xf32, #tpu.memory_space<hbm>>) target(%arg8 : memref<2x16xf32, #tpu.memory_space<vmem>>) target_semaphore(%run_scoped3A : memref<!tpu.dma_semaphore, #tpu.memory_space<semaphore_mem>>)
        tpu.wait_dma2 semaphore(%run_scoped3A : memref<!tpu.dma_semaphore, #tpu.memory_space<semaphore_mem>>) src(%arg2 : memref<2x16xf32, #tpu.memory_space<hbm>>) dst(%arg8 : memref<2x16xf32, #tpu.memory_space<vmem>>)
        tpu.yield
      }) : () -> ()
      "tpu.region"() ({
        %run_scoped3A = tpu.sem_alloc : memref<!tpu.dma_semaphore, #tpu.memory_space<semaphore_mem>>
        tpu.enqueue_dma source(%arg3 : memref<1x16xf32, #tpu.memory_space<hbm>>) target(%arg9 : memref<1x16xf32, #tpu.memory_space<vmem>>) target_semaphore(%run_scoped3A : memref<!tpu.dma_semaphore, #tpu.memory_space<semaphore_mem>>)
        tpu.wait_dma2 semaphore(%run_scoped3A : memref<!tpu.dma_semaphore, #tpu.memory_space<semaphore_mem>>) src(%arg3 : memref<1x16xf32, #tpu.memory_space<hbm>>) dst(%arg9 : memref<1x16xf32, #tpu.memory_space<vmem>>)
        tpu.yield
      }) : () -> ()
      %iota3A = tpu.iota {dimensions = array<i32: 0>} : vector<16xi32>
      %lt3A = arith.constant 8 : i32
      %lt3A_4 = vector.broadcast %lt3A : i32 to vector<16xi32>
      %lt3A_5 = arith.cmpi slt, %iota3A, %lt3A_4 : vector<16xi32>
      %get3A = arith.constant 0 : i32
      %get3A_6 = arith.index_cast %get3A : i32 to index
      %get3A_7 = arith.constant 0 : index
      %get3A_8 = tpu.vector_load %arg9[%get3A_6, %get3A_7] {strides = array<i32>} : memref<1x16xf32, #tpu.memory_space<vmem>>, vector<16xf32>,
      %neg3A = arith.constant 0.000000e+00 : f32
      %neg3A_9 = vector.broadcast %neg3A : f32 to vector<16xf32>
      %neg3A_10 = arith.subf %neg3A_9, %get3A_8 : vector<16xf32>
      %exp3A = math.exp %neg3A_10 : vector<16xf32>
      %add3A = arith.constant 1.000000e+00 : f32
      %add3A_11 = vector.broadcast %add3A : f32 to vector<16xf32>
      %add3A_12 = arith.addf %add3A_11, %exp3A : vector<16xf32>
      %div3A = arith.constant 1.000000e+00 : f32
      %div3A_13 = vector.broadcast %div3A : f32 to vector<16xf32>
      %div3A_14 = arith.divf %div3A_13, %add3A_12 : vector<16xf32>
      %broadcast_in_dim3A = arith.constant 0 : i32
      %broadcast_in_dim3A_15 = vector.broadcast %broadcast_in_dim3A : i32 to vector<16xi32>
      %get3A_16 = arith.constant 0 : i32
      %get3A_17 = arith.index_cast %get3A_16 : i32 to index
      %get3A_18 = arith.constant 0 : index
      %get3A_19 = tpu.vector_load %arg8[%get3A_17, %get3A_18] {strides = array<i32>} : memref<2x16xf32, #tpu.memory_space<vmem>>, vector<16xf32>,
      %mul3A = arith.constant 4.8828125E-4 : f32
      %mul3A_20 = vector.broadcast %mul3A : f32 to vector<16xf32>
      %mul3A_21 = arith.mulf %get3A_19, %mul3A_20 : vector<16xf32>
      %neg3A_22 = arith.constant 0.000000e+00 : f32
      %neg3A_23 = vector.broadcast %neg3A_22 : f32 to vector<16xf32>
      %neg3A_24 = arith.subf %neg3A_23, %mul3A_21 : vector<16xf32>
      %jit3A = arith.constant 0.000000e+00 : f32
      %broadcast_in_dim3A_25 = vector.broadcast %jit3A : f32 to vector<16xf32>
      %select_n3A = arith.select %lt3A_5, %neg3A_24, %broadcast_in_dim3A_25 : vector<16xi1>, vector<16xf32>
      %reduce_sum3A = arith.constant true
      %reduce_sum3A_26 = vector.broadcast %reduce_sum3A : i1 to vector<16xi1>
      %reduce_sum3A_27 = tpu.scan <sum>, %select_n3A masked %reduce_sum3A_26 : vector<16xf32>, vector<16xi1> -> vector<16xf32>
      %reduce_sum3A_28 = vector.extract %reduce_sum3A_27[15] : f32 from vector<16xf32>
      %broadcast_in_dim3A_29 = vector.broadcast %reduce_sum3A_28 : f32 to vector<16xf32>
      %mul3A_30 = arith.constant 1.250000e-01 : f32
      %mul3A_31 = vector.broadcast %mul3A_30 : f32 to vector<16xf32>
      %mul3A_32 = arith.mulf %broadcast_in_dim3A_29, %mul3A_31 : vector<16xf32>
      %sub3A = arith.subf %neg3A_24, %mul3A_32 : vector<16xf32>
      %jit3A_33 = arith.constant 0.000000e+00 : f32
      %broadcast_in_dim3A_34 = vector.broadcast %jit3A_33 : f32 to vector<16xf32>
      %select_n3A_35 = arith.select %lt3A_5, %sub3A, %broadcast_in_dim3A_34 : vector<16xi1>, vector<16xf32>
      %mul3A_36 = arith.mulf %select_n3A_35, %select_n3A_35 : vector<16xf32>
      %reduce_sum3A_37 = arith.constant true
      %reduce_sum3A_38 = vector.broadcast %reduce_sum3A_37 : i1 to vector<16xi1>
      %reduce_sum3A_39 = tpu.scan <sum>, %mul3A_36 masked %reduce_sum3A_38 : vector<16xf32>, vector<16xi1> -> vector<16xf32>
      %reduce_sum3A_40 = vector.extract %reduce_sum3A_39[15] : f32 from vector<16xf32>
      %broadcast_in_dim3A_41 = vector.broadcast %reduce_sum3A_40 : f32 to vector<16xf32>
      %mul3A_42 = arith.constant 0.142857149 : f32
      %mul3A_43 = vector.broadcast %mul3A_42 : f32 to vector<16xf32>
      %mul3A_44 = arith.mulf %broadcast_in_dim3A_41, %mul3A_43 : vector<16xf32>
      %max3A = arith.constant 1.000000e-30 : f32
      %max3A_45 = vector.broadcast %max3A : f32 to vector<16xf32>
      %max3A_46 = arith.maximumf %mul3A_44, %max3A_45 : vector<16xf32>
      %bitcast_convert_type3A = tpu.bitcast %max3A_46 : vector<16xf32> -> vector<16xi32>
      %broadcast_in_dim3A_47 = arith.constant 1597463007 : i32
      %broadcast_in_dim3A_48 = vector.broadcast %broadcast_in_dim3A_47 : i32 to vector<16xi32>
      %shift_right_arithmetic3A = arith.constant 1 : i32
      %shift_right_arithmetic3A_49 = vector.broadcast %shift_right_arithmetic3A : i32 to vector<16xi32>
      %shift_right_arithmetic3A_50 = arith.shrsi %bitcast_convert_type3A, %shift_right_arithmetic3A_49 : vector<16xi32>
      %sub3A_51 = arith.subi %broadcast_in_dim3A_48, %shift_right_arithmetic3A_50 : vector<16xi32>
      %bitcast_convert_type3A_52 = tpu.bitcast %sub3A_51 : vector<16xi32> -> vector<16xf32>
      %mul3A_53 = arith.constant 5.000000e-01 : f32
      %mul3A_54 = vector.broadcast %mul3A_53 : f32 to vector<16xf32>
      %mul3A_55 = arith.mulf %mul3A_54, %max3A_46 : vector<16xf32>
      %mul3A_56 = arith.mulf %mul3A_55, %bitcast_convert_type3A_52 : vector<16xf32>
      %mul3A_57 = arith.mulf %mul3A_56, %bitcast_convert_type3A_52 : vector<16xf32>
      %sub3A_58 = arith.constant 1.500000e+00 : f32
      %sub3A_59 = vector.broadcast %sub3A_58 : f32 to vector<16xf32>
      %sub3A_60 = arith.subf %sub3A_59, %mul3A_57 : vector<16xf32>
      %mul3A_61 = arith.mulf %bitcast_convert_type3A_52, %sub3A_60 : vector<16xf32>
      %mul3A_62 = arith.constant 5.000000e-01 : f32
      %mul3A_63 = vector.broadcast %mul3A_62 : f32 to vector<16xf32>
      %mul3A_64 = arith.mulf %mul3A_63, %max3A_46 : vector<16xf32>
      %mul3A_65 = arith.mulf %mul3A_64, %mul3A_61 : vector<16xf32>
      %mul3A_66 = arith.mulf %mul3A_65, %mul3A_61 : vector<16xf32>
      %sub3A_67 = arith.constant 1.500000e+00 : f32
      %sub3A_68 = vector.broadcast %sub3A_67 : f32 to vector<16xf32>
      %sub3A_69 = arith.subf %sub3A_68, %mul3A_66 : vector<16xf32>
      %mul3A_70 = arith.mulf %mul3A_61, %sub3A_69 : vector<16xf32>
      %mul3A_71 = arith.constant 5.000000e-01 : f32
      %mul3A_72 = vector.broadcast %mul3A_71 : f32 to vector<16xf32>
      %mul3A_73 = arith.mulf %mul3A_72, %max3A_46 : vector<16xf32>
      %mul3A_74 = arith.mulf %mul3A_73, %mul3A_70 : vector<16xf32>
      %mul3A_75 = arith.mulf %mul3A_74, %mul3A_70 : vector<16xf32>
      %sub3A_76 = arith.constant 1.500000e+00 : f32
      %sub3A_77 = vector.broadcast %sub3A_76 : f32 to vector<16xf32>
      %sub3A_78 = arith.subf %sub3A_77, %mul3A_75 : vector<16xf32>
      %mul3A_79 = arith.mulf %mul3A_70, %sub3A_78 : vector<16xf32>
      %mul3A_80 = arith.mulf %max3A_46, %mul3A_79 : vector<16xf32>
      %add3A_81 = arith.constant 9.99999971E-10 : f32
      %add3A_82 = vector.broadcast %add3A_81 : f32 to vector<16xf32>
      %add3A_83 = arith.addf %mul3A_80, %add3A_82 : vector<16xf32>
      %div3A_84 = arith.divf %select_n3A_35, %add3A_83 : vector<16xf32>
      %sub3A_85 = arith.subf %div3A_84, %div3A_14 : vector<16xf32>
      %gt3A = arith.constant 0.000000e+00 : f32
      %gt3A_86 = vector.broadcast %gt3A : f32 to vector<16xf32>
      %gt3A_87 = arith.cmpf ogt, %sub3A_85, %gt3A_86 : vector<16xf32>
      %and3A_88 = arith.andi %lt3A_5, %gt3A_87 : vector<16xi1>
      %jit3A_89 = arith.constant 1.000000e+00 : f32
      %jit3A_90 = arith.constant 0.000000e+00 : f32
      %broadcast_in_dim3A_91 = vector.broadcast %jit3A_89 : f32 to vector<16xf32>
      %broadcast_in_dim3A_92 = vector.broadcast %jit3A_90 : f32 to vector<16xf32>
      %select_n3A_93 = arith.select %and3A_88, %broadcast_in_dim3A_91, %broadcast_in_dim3A_92 : vector<16xi1>, vector<16xf32>
      %reduce_sum3A_94 = arith.constant true
      %reduce_sum3A_95 = vector.broadcast %reduce_sum3A_94 : i1 to vector<16xi1>
      %reduce_sum3A_96 = tpu.scan <sum>, %select_n3A_93 masked %reduce_sum3A_95 : vector<16xf32>, vector<16xi1> -> vector<16xf32>
      %reduce_sum3A_97 = vector.extract %reduce_sum3A_96[15] : f32 from vector<16xf32>
      %broadcast_in_dim3A_98 = vector.broadcast %reduce_sum3A_97 : f32 to vector<16xf32>
      %eq3A_99 = arith.constant 0.000000e+00 : f32
      %eq3A_100 = vector.broadcast %eq3A_99 : f32 to vector<16xf32>
      %eq3A_101 = arith.cmpf oeq, %broadcast_in_dim3A_98, %eq3A_100 : vector<16xf32>
      %jit3A_102 = arith.constant -1.000000e+30 : f32
      %broadcast_in_dim3A_103 = vector.broadcast %jit3A_102 : f32 to vector<16xf32>
      %select_n3A_104 = arith.select %lt3A_5, %neg3A_24, %broadcast_in_dim3A_103 : vector<16xi1>, vector<16xf32>
      %reduce_max3A = arith.constant true
      %reduce_max3A_105 = vector.broadcast %reduce_max3A : i1 to vector<16xi1>
      %reduce_max3A_106 = tpu.scan <max>, %select_n3A_104 masked %reduce_max3A_105 : vector<16xf32>, vector<16xi1> -> vector<16xf32>
      %reduce_max3A_107 = vector.extract %reduce_max3A_106[15] : f32 from vector<16xf32>
      %broadcast_in_dim3A_108 = vector.broadcast %reduce_max3A_107 : f32 to vector<16xf32>
      %ge3A = arith.cmpf oge, %neg3A_24, %broadcast_in_dim3A_108 : vector<16xf32>
      %and3A_109 = arith.andi %lt3A_5, %ge3A : vector<16xi1>
      %all_reduce_ffs3A = tpu.all_reduce %and3A_109 {dim = 0 : i64, kind = #tpu.reduction_kind<find_first_set>} : vector<16xi1> -> vector<16xi32>
      %eq3A_110 = arith.cmpi eq, %iota3A, %all_reduce_ffs3A : vector<16xi32>
      %jit3A_111 = arith.constant 1.000000e+00 : f32
      %jit3A_112 = arith.constant 0.000000e+00 : f32
      %broadcast_in_dim3A_113 = vector.broadcast %jit3A_111 : f32 to vector<16xf32>
      %broadcast_in_dim3A_114 = vector.broadcast %jit3A_112 : f32 to vector<16xf32>
      %select_n3A_115 = arith.select %eq3A_110, %broadcast_in_dim3A_113, %broadcast_in_dim3A_114 : vector<16xi1>, vector<16xf32>
      %select_n3A_116 = arith.select %eq3A_101, %select_n3A_115, %select_n3A_93 : vector<16xi1>, vector<16xf32>
      %reduce_sum3A_117 = arith.constant true
      %reduce_sum3A_118 = vector.broadcast %reduce_sum3A_117 : i1 to vector<16xi1>
      %reduce_sum3A_119 = tpu.scan <sum>, %select_n3A_116 masked %reduce_sum3A_118 : vector<16xf32>, vector<16xi1> -> vector<16xf32>
      %reduce_sum3A_120 = vector.extract %reduce_sum3A_119[15] : f32 from vector<16xf32>
      %broadcast_in_dim3A_121 = vector.broadcast %reduce_sum3A_120 : f32 to vector<16xf32>
      %max3A_122 = arith.constant 1.000000e+00 : f32
      %max3A_123 = vector.broadcast %max3A_122 : f32 to vector<16xf32>
      %max3A_124 = arith.maximumf %broadcast_in_dim3A_121, %max3A_123 : vector<16xf32>
      %div3A_125 = arith.divf %select_n3A_116, %max3A_124 : vector<16xf32>
      %swap3A = arith.constant 0 : i32
      %swap3A_126 = arith.index_cast %swap3A : i32 to index
      %swap3A_127 = arith.constant 0 : index
      %swap3A_128 = tpu.vector_load %arg10[%swap3A_126, %swap3A_127] {strides = array<i32>} : memref<2x16xf32, #tpu.memory_space<vmem>>, vector<16xf32>,
      tpu.vector_store %arg10[%swap3A_126, %swap3A_127], %sub3A_85 {strides = array<i32>} : memref<2x16xf32, #tpu.memory_space<vmem>>, vector<16xf32>,
      %swap3A_129 = arith.constant 0 : i32
      %swap3A_130 = arith.index_cast %swap3A_129 : i32 to index
      %swap3A_131 = arith.constant 0 : index
      %swap3A_132 = tpu.vector_load %arg11[%swap3A_130, %swap3A_131] {strides = array<i32>} : memref<2x16xf32, #tpu.memory_space<vmem>>, vector<16xf32>,
      tpu.vector_store %arg11[%swap3A_130, %swap3A_131], %select_n3A_116 {strides = array<i32>} : memref<2x16xf32, #tpu.memory_space<vmem>>, vector<16xf32>,
      %swap3A_133 = arith.constant 0 : i32
      %swap3A_134 = arith.index_cast %swap3A_133 : i32 to index
      %swap3A_135 = arith.constant 0 : index
      %swap3A_136 = tpu.vector_load %arg12[%swap3A_134, %swap3A_135] {strides = array<i32>} : memref<2x16xf32, #tpu.memory_space<vmem>>, vector<16xf32>,
      tpu.vector_store %arg12[%swap3A_134, %swap3A_135], %div3A_125 {strides = array<i32>} : memref<2x16xf32, #tpu.memory_space<vmem>>, vector<16xf32>,
      %jit3A_137 = arith.constant 1 : i32
      %jit3A_138 = arith.constant 0 : i32
      %broadcast_in_dim3A_139 = vector.broadcast %jit3A_137 : i32 to vector<16xi32>
      %broadcast_in_dim3A_140 = vector.broadcast %jit3A_138 : i32 to vector<16xi32>
      %select_n3A_141 = arith.select %eq3A_101, %broadcast_in_dim3A_139, %broadcast_in_dim3A_140 : vector<16xi1>, vector<16xi32>
      %add3A_142 = arith.addi %broadcast_in_dim3A_15, %select_n3A_141 : vector<16xi32>
      %get3A_143 = arith.constant 1 : i32
      %get3A_144 = arith.index_cast %get3A_143 : i32 to index
      %get3A_145 = arith.constant 0 : index
      %get3A_146 = tpu.vector_load %arg8[%get3A_144, %get3A_145] {strides = array<i32>} : memref<2x16xf32, #tpu.memory_space<vmem>>, vector<16xf32>,
      %mul3A_147 = arith.constant 4.8828125E-4 : f32
      %mul3A_148 = vector.broadcast %mul3A_147 : f32 to vector<16xf32>
      %mul3A_149 = arith.mulf %get3A_146, %mul3A_148 : vector<16xf32>
      %neg3A_150 = arith.constant 0.000000e+00 : f32
      %neg3A_151 = vector.broadcast %neg3A_150 : f32 to vector<16xf32>
      %neg3A_152 = arith.subf %neg3A_151, %mul3A_149 : vector<16xf32>
      %jit3A_153 = arith.constant 0.000000e+00 : f32
      %broadcast_in_dim3A_154 = vector.broadcast %jit3A_153 : f32 to vector<16xf32>
      %select_n3A_155 = arith.select %lt3A_5, %neg3A_152, %broadcast_in_dim3A_154 : vector<16xi1>, vector<16xf32>
      %reduce_sum3A_156 = arith.constant true
      %reduce_sum3A_157 = vector.broadcast %reduce_sum3A_156 : i1 to vector<16xi1>
      %reduce_sum3A_158 = tpu.scan <sum>, %select_n3A_155 masked %reduce_sum3A_157 : vector<16xf32>, vector<16xi1> -> vector<16xf32>
      %reduce_sum3A_159 = vector.extract %reduce_sum3A_158[15] : f32 from vector<16xf32>
      %broadcast_in_dim3A_160 = vector.broadcast %reduce_sum3A_159 : f32 to vector<16xf32>
      %mul3A_161 = arith.constant 1.250000e-01 : f32
      %mul3A_162 = vector.broadcast %mul3A_161 : f32 to vector<16xf32>
      %mul3A_163 = arith.mulf %broadcast_in_dim3A_160, %mul3A_162 : vector<16xf32>
      %sub3A_164 = arith.subf %neg3A_152, %mul3A_163 : vector<16xf32>
      %jit3A_165 = arith.constant 0.000000e+00 : f32
      %broadcast_in_dim3A_166 = vector.broadcast %jit3A_165 : f32 to vector<16xf32>
      %select_n3A_167 = arith.select %lt3A_5, %sub3A_164, %broadcast_in_dim3A_166 : vector<16xi1>, vector<16xf32>
      %mul3A_168 = arith.mulf %select_n3A_167, %select_n3A_167 : vector<16xf32>
      %reduce_sum3A_169 = arith.constant true
      %reduce_sum3A_170 = vector.broadcast %reduce_sum3A_169 : i1 to vector<16xi1>
      %reduce_sum3A_171 = tpu.scan <sum>, %mul3A_168 masked %reduce_sum3A_170 : vector<16xf32>, vector<16xi1> -> vector<16xf32>
      %reduce_sum3A_172 = vector.extract %reduce_sum3A_171[15] : f32 from vector<16xf32>
      %broadcast_in_dim3A_173 = vector.broadcast %reduce_sum3A_172 : f32 to vector<16xf32>
      %mul3A_174 = arith.constant 0.142857149 : f32
      %mul3A_175 = vector.broadcast %mul3A_174 : f32 to vector<16xf32>
      %mul3A_176 = arith.mulf %broadcast_in_dim3A_173, %mul3A_175 : vector<16xf32>
      %max3A_177 = arith.constant 1.000000e-30 : f32
      %max3A_178 = vector.broadcast %max3A_177 : f32 to vector<16xf32>
      %max3A_179 = arith.maximumf %mul3A_176, %max3A_178 : vector<16xf32>
      %bitcast_convert_type3A_180 = tpu.bitcast %max3A_179 : vector<16xf32> -> vector<16xi32>
      %broadcast_in_dim3A_181 = arith.constant 1597463007 : i32
      %broadcast_in_dim3A_182 = vector.broadcast %broadcast_in_dim3A_181 : i32 to vector<16xi32>
      %shift_right_arithmetic3A_183 = arith.constant 1 : i32
      %shift_right_arithmetic3A_184 = vector.broadcast %shift_right_arithmetic3A_183 : i32 to vector<16xi32>
      %shift_right_arithmetic3A_185 = arith.shrsi %bitcast_convert_type3A_180, %shift_right_arithmetic3A_184 : vector<16xi32>
      %sub3A_186 = arith.subi %broadcast_in_dim3A_182, %shift_right_arithmetic3A_185 : vector<16xi32>
      %bitcast_convert_type3A_187 = tpu.bitcast %sub3A_186 : vector<16xi32> -> vector<16xf32>
      %mul3A_188 = arith.constant 5.000000e-01 : f32
      %mul3A_189 = vector.broadcast %mul3A_188 : f32 to vector<16xf32>
      %mul3A_190 = arith.mulf %mul3A_189, %max3A_179 : vector<16xf32>
      %mul3A_191 = arith.mulf %mul3A_190, %bitcast_convert_type3A_187 : vector<16xf32>
      %mul3A_192 = arith.mulf %mul3A_191, %bitcast_convert_type3A_187 : vector<16xf32>
      %sub3A_193 = arith.constant 1.500000e+00 : f32
      %sub3A_194 = vector.broadcast %sub3A_193 : f32 to vector<16xf32>
      %sub3A_195 = arith.subf %sub3A_194, %mul3A_192 : vector<16xf32>
      %mul3A_196 = arith.mulf %bitcast_convert_type3A_187, %sub3A_195 : vector<16xf32>
      %mul3A_197 = arith.constant 5.000000e-01 : f32
      %mul3A_198 = vector.broadcast %mul3A_197 : f32 to vector<16xf32>
      %mul3A_199 = arith.mulf %mul3A_198, %max3A_179 : vector<16xf32>
      %mul3A_200 = arith.mulf %mul3A_199, %mul3A_196 : vector<16xf32>
      %mul3A_201 = arith.mulf %mul3A_200, %mul3A_196 : vector<16xf32>
      %sub3A_202 = arith.constant 1.500000e+00 : f32
      %sub3A_203 = vector.broadcast %sub3A_202 : f32 to vector<16xf32>
      %sub3A_204 = arith.subf %sub3A_203, %mul3A_201 : vector<16xf32>
      %mul3A_205 = arith.mulf %mul3A_196, %sub3A_204 : vector<16xf32>
      %mul3A_206 = arith.constant 5.000000e-01 : f32
      %mul3A_207 = vector.broadcast %mul3A_206 : f32 to vector<16xf32>
      %mul3A_208 = arith.mulf %mul3A_207, %max3A_179 : vector<16xf32>
      %mul3A_209 = arith.mulf %mul3A_208, %mul3A_205 : vector<16xf32>
      %mul3A_210 = arith.mulf %mul3A_209, %mul3A_205 : vector<16xf32>
      %sub3A_211 = arith.constant 1.500000e+00 : f32
      %sub3A_212 = vector.broadcast %sub3A_211 : f32 to vector<16xf32>
      %sub3A_213 = arith.subf %sub3A_212, %mul3A_210 : vector<16xf32>
      %mul3A_214 = arith.mulf %mul3A_205, %sub3A_213 : vector<16xf32>
      %mul3A_215 = arith.mulf %max3A_179, %mul3A_214 : vector<16xf32>
      %add3A_216 = arith.constant 9.99999971E-10 : f32
      %add3A_217 = vector.broadcast %add3A_216 : f32 to vector<16xf32>
      %add3A_218 = arith.addf %mul3A_215, %add3A_217 : vector<16xf32>
      %div3A_219 = arith.divf %select_n3A_167, %add3A_218 : vector<16xf32>
      %sub3A_220 = arith.subf %div3A_219, %div3A_14 : vector<16xf32>
      %gt3A_221 = arith.constant 0.000000e+00 : f32
      %gt3A_222 = vector.broadcast %gt3A_221 : f32 to vector<16xf32>
      %gt3A_223 = arith.cmpf ogt, %sub3A_220, %gt3A_222 : vector<16xf32>
      %and3A_224 = arith.andi %lt3A_5, %gt3A_223 : vector<16xi1>
      %jit3A_225 = arith.constant 1.000000e+00 : f32
      %jit3A_226 = arith.constant 0.000000e+00 : f32
      %broadcast_in_dim3A_227 = vector.broadcast %jit3A_225 : f32 to vector<16xf32>
      %broadcast_in_dim3A_228 = vector.broadcast %jit3A_226 : f32 to vector<16xf32>
      %select_n3A_229 = arith.select %and3A_224, %broadcast_in_dim3A_227, %broadcast_in_dim3A_228 : vector<16xi1>, vector<16xf32>
      %reduce_sum3A_230 = arith.constant true
      %reduce_sum3A_231 = vector.broadcast %reduce_sum3A_230 : i1 to vector<16xi1>
      %reduce_sum3A_232 = tpu.scan <sum>, %select_n3A_229 masked %reduce_sum3A_231 : vector<16xf32>, vector<16xi1> -> vector<16xf32>
      %reduce_sum3A_233 = vector.extract %reduce_sum3A_232[15] : f32 from vector<16xf32>
      %broadcast_in_dim3A_234 = vector.broadcast %reduce_sum3A_233 : f32 to vector<16xf32>
      %eq3A_235 = arith.constant 0.000000e+00 : f32
      %eq3A_236 = vector.broadcast %eq3A_235 : f32 to vector<16xf32>
      %eq3A_237 = arith.cmpf oeq, %broadcast_in_dim3A_234, %eq3A_236 : vector<16xf32>
      %jit3A_238 = arith.constant -1.000000e+30 : f32
      %broadcast_in_dim3A_239 = vector.broadcast %jit3A_238 : f32 to vector<16xf32>
      %select_n3A_240 = arith.select %lt3A_5, %neg3A_152, %broadcast_in_dim3A_239 : vector<16xi1>, vector<16xf32>
      %reduce_max3A_241 = arith.constant true
      %reduce_max3A_242 = vector.broadcast %reduce_max3A_241 : i1 to vector<16xi1>
      %reduce_max3A_243 = tpu.scan <max>, %select_n3A_240 masked %reduce_max3A_242 : vector<16xf32>, vector<16xi1> -> vector<16xf32>
      %reduce_max3A_244 = vector.extract %reduce_max3A_243[15] : f32 from vector<16xf32>
      %broadcast_in_dim3A_245 = vector.broadcast %reduce_max3A_244 : f32 to vector<16xf32>
      %ge3A_246 = arith.cmpf oge, %neg3A_152, %broadcast_in_dim3A_245 : vector<16xf32>
      %and3A_247 = arith.andi %lt3A_5, %ge3A_246 : vector<16xi1>
      %all_reduce_ffs3A_248 = tpu.all_reduce %and3A_247 {dim = 0 : i64, kind = #tpu.reduction_kind<find_first_set>} : vector<16xi1> -> vector<16xi32>
      %eq3A_249 = arith.cmpi eq, %iota3A, %all_reduce_ffs3A_248 : vector<16xi32>
      %jit3A_250 = arith.constant 1.000000e+00 : f32
      %jit3A_251 = arith.constant 0.000000e+00 : f32
      %broadcast_in_dim3A_252 = vector.broadcast %jit3A_250 : f32 to vector<16xf32>
      %broadcast_in_dim3A_253 = vector.broadcast %jit3A_251 : f32 to vector<16xf32>
      %select_n3A_254 = arith.select %eq3A_249, %broadcast_in_dim3A_252, %broadcast_in_dim3A_253 : vector<16xi1>, vector<16xf32>
      %select_n3A_255 = arith.select %eq3A_237, %select_n3A_254, %select_n3A_229 : vector<16xi1>, vector<16xf32>
      %reduce_sum3A_256 = arith.constant true
      %reduce_sum3A_257 = vector.broadcast %reduce_sum3A_256 : i1 to vector<16xi1>
      %reduce_sum3A_258 = tpu.scan <sum>, %select_n3A_255 masked %reduce_sum3A_257 : vector<16xf32>, vector<16xi1> -> vector<16xf32>
      %reduce_sum3A_259 = vector.extract %reduce_sum3A_258[15] : f32 from vector<16xf32>
      %broadcast_in_dim3A_260 = vector.broadcast %reduce_sum3A_259 : f32 to vector<16xf32>
      %max3A_261 = arith.constant 1.000000e+00 : f32
      %max3A_262 = vector.broadcast %max3A_261 : f32 to vector<16xf32>
      %max3A_263 = arith.maximumf %broadcast_in_dim3A_260, %max3A_262 : vector<16xf32>
      %div3A_264 = arith.divf %select_n3A_255, %max3A_263 : vector<16xf32>
      %swap3A_265 = arith.constant 1 : i32
      %swap3A_266 = arith.index_cast %swap3A_265 : i32 to index
      %swap3A_267 = arith.constant 0 : index
      %swap3A_268 = tpu.vector_load %arg10[%swap3A_266, %swap3A_267] {strides = array<i32>} : memref<2x16xf32, #tpu.memory_space<vmem>>, vector<16xf32>,
      tpu.vector_store %arg10[%swap3A_266, %swap3A_267], %sub3A_220 {strides = array<i32>} : memref<2x16xf32, #tpu.memory_space<vmem>>, vector<16xf32>,
      %swap3A_269 = arith.constant 1 : i32
      %swap3A_270 = arith.index_cast %swap3A_269 : i32 to index
      %swap3A_271 = arith.constant 0 : index
      %swap3A_272 = tpu.vector_load %arg11[%swap3A_270, %swap3A_271] {strides = array<i32>} : memref<2x16xf32, #tpu.memory_space<vmem>>, vector<16xf32>,
      tpu.vector_store %arg11[%swap3A_270, %swap3A_271], %select_n3A_255 {strides = array<i32>} : memref<2x16xf32, #tpu.memory_space<vmem>>, vector<16xf32>,
      %swap3A_273 = arith.constant 1 : i32
      %swap3A_274 = arith.index_cast %swap3A_273 : i32 to index
      %swap3A_275 = arith.constant 0 : index
      %swap3A_276 = tpu.vector_load %arg12[%swap3A_274, %swap3A_275] {strides = array<i32>} : memref<2x16xf32, #tpu.memory_space<vmem>>, vector<16xf32>,
      tpu.vector_store %arg12[%swap3A_274, %swap3A_275], %div3A_264 {strides = array<i32>} : memref<2x16xf32, #tpu.memory_space<vmem>>, vector<16xf32>,
      %jit3A_277 = arith.constant 1 : i32
      %jit3A_278 = arith.constant 0 : i32
      %broadcast_in_dim3A_279 = vector.broadcast %jit3A_277 : i32 to vector<16xi32>
      %broadcast_in_dim3A_280 = vector.broadcast %jit3A_278 : i32 to vector<16xi32>
      %select_n3A_281 = arith.select %eq3A_237, %broadcast_in_dim3A_279, %broadcast_in_dim3A_280 : vector<16xi1>, vector<16xi32>
      %add3A_282 = arith.addi %add3A_142, %select_n3A_281 : vector<16xi32>
      %swap3A_283 = arith.constant 0 : i32
      %swap3A_284 = arith.index_cast %swap3A_283 : i32 to index
      %swap3A_285 = arith.constant 0 : index
      %swap3A_286 = tpu.vector_load %arg13[%swap3A_284, %swap3A_285] {strides = array<i32>} : memref<1x16xi32, #tpu.memory_space<vmem>>, vector<16xi32>,
      tpu.vector_store %arg13[%swap3A_284, %swap3A_285], %add3A_282 {strides = array<i32>} : memref<1x16xi32, #tpu.memory_space<vmem>>, vector<16xi32>,
      "tpu.region"() ({
        %run_scoped3A = tpu.sem_alloc : memref<!tpu.dma_semaphore, #tpu.memory_space<semaphore_mem>>
        tpu.enqueue_dma source(%arg10 : memref<2x16xf32, #tpu.memory_space<vmem>>) target(%arg4 : memref<2x16xf32, #tpu.memory_space<hbm>>) target_semaphore(%run_scoped3A : memref<!tpu.dma_semaphore, #tpu.memory_space<semaphore_mem>>)
        tpu.wait_dma2 semaphore(%run_scoped3A : memref<!tpu.dma_semaphore, #tpu.memory_space<semaphore_mem>>) src(%arg10 : memref<2x16xf32, #tpu.memory_space<vmem>>) dst(%arg4 : memref<2x16xf32, #tpu.memory_space<hbm>>)
        tpu.yield
      }) : () -> ()
      "tpu.region"() ({
        %run_scoped3A = tpu.sem_alloc : memref<!tpu.dma_semaphore, #tpu.memory_space<semaphore_mem>>
        tpu.enqueue_dma source(%arg11 : memref<2x16xf32, #tpu.memory_space<vmem>>) target(%arg5 : memref<2x16xf32, #tpu.memory_space<hbm>>) target_semaphore(%run_scoped3A : memref<!tpu.dma_semaphore, #tpu.memory_space<semaphore_mem>>)
        tpu.wait_dma2 semaphore(%run_scoped3A : memref<!tpu.dma_semaphore, #tpu.memory_space<semaphore_mem>>) src(%arg11 : memref<2x16xf32, #tpu.memory_space<vmem>>) dst(%arg5 : memref<2x16xf32, #tpu.memory_space<hbm>>)
        tpu.yield
      }) : () -> ()
      "tpu.region"() ({
        %run_scoped3A = tpu.sem_alloc : memref<!tpu.dma_semaphore, #tpu.memory_space<semaphore_mem>>
        tpu.enqueue_dma source(%arg12 : memref<2x16xf32, #tpu.memory_space<vmem>>) target(%arg6 : memref<2x16xf32, #tpu.memory_space<hbm>>) target_semaphore(%run_scoped3A : memref<!tpu.dma_semaphore, #tpu.memory_space<semaphore_mem>>)
        tpu.wait_dma2 semaphore(%run_scoped3A : memref<!tpu.dma_semaphore, #tpu.memory_space<semaphore_mem>>) src(%arg12 : memref<2x16xf32, #tpu.memory_space<vmem>>) dst(%arg6 : memref<2x16xf32, #tpu.memory_space<hbm>>)
        tpu.yield
      }) : () -> ()
      "tpu.region"() ({
        %run_scoped3A = tpu.sem_alloc : memref<!tpu.dma_semaphore, #tpu.memory_space<semaphore_mem>>
        tpu.enqueue_dma source(%arg13 : memref<1x16xi32, #tpu.memory_space<vmem>>) target(%arg7 : memref<1x16xi32, #tpu.memory_space<hbm>>) target_semaphore(%run_scoped3A : memref<!tpu.dma_semaphore, #tpu.memory_space<semaphore_mem>>)
        tpu.wait_dma2 semaphore(%run_scoped3A : memref<!tpu.dma_semaphore, #tpu.memory_space<semaphore_mem>>) src(%arg13 : memref<1x16xi32, #tpu.memory_space<vmem>>) dst(%arg7 : memref<1x16xi32, #tpu.memory_space<hbm>>)
        tpu.yield
      }) : () -> ()
    } else {
    }
    return
  }
}

module attributes {stable_mosaic.version = 14 : i64} {
  func.func @_attn_kernel(%arg0: i32, %arg1: i32, %arg2: i32, %arg3: memref<1x2048x1024xbf16, #tpu.memory_space<vmem>>, %arg4: memref<1x1024x192xbf16, #tpu.memory_space<vmem>>, %arg5: memref<1x1x1024x64xf32, #tpu.memory_space<vmem>>, %arg6: memref<1x1x1xf32, #tpu.memory_space<smem>>, %arg7: memref<2048x64xbf16, #tpu.memory_space<vmem>>, %arg8: memref<2048x64xbf16, #tpu.memory_space<vmem>>, %arg9: memref<2048x64xbf16, #tpu.memory_space<vmem>>) attributes {dimension_semantics = [#tpu.dimension_semantics<arbitrary>, #tpu.dimension_semantics<arbitrary>, #tpu.dimension_semantics<arbitrary>], iteration_bounds = array<i64: 2, 8, 2>, scalar_prefetch = 0 : i64, scratch_operands = 3 : i64, tpu.core_type = #tpu.core_type<tc>, window_params = [{transform_indices = @transform_0, window_bounds = array<i64: 1, 2048, 1024>}, {transform_indices = @transform_1, window_bounds = array<i64: 1, 1024, 192>}, {transform_indices = @transform_2, window_bounds = array<i64: 1, 1, 1024, 64>}, {transform_indices = @transform_3, window_bounds = array<i64: 1, 1, 1>}]} {
    %eq3A = arith.constant 0 : i32
    %eq3A_0 = arith.cmpi eq, %arg2, %eq3A : i32
    %convert_element_type3A = arith.extui %eq3A_0 : i1 to i32
    %cond3A = arith.constant 0 : i32
    %cond3A_1 = arith.cmpi ne, %convert_element_type3A, %cond3A : i32
    scf.if %cond3A_1 {
      %get3A_95 = arith.constant 0 : index
      %get3A_96 = arith.constant 0 : index
      %get3A_97 = arith.constant 0 : index
      %get3A_98 = vector.load %arg3[%get3A_95, %get3A_96, %get3A_97] : memref<1x2048x1024xbf16, #tpu.memory_space<vmem>>, vector<1x2048x1024xbf16>
      %get3A_99 = vector.shape_cast %get3A_98 : vector<1x2048x1024xbf16> to vector<2048x1024xbf16>
      %get3A_100 = arith.constant 0 : index
      %get3A_101 = arith.constant 0 : index
      %get3A_102 = arith.constant 0 : index
      %get3A_103 = vector.load %arg4[%get3A_100, %get3A_101, %get3A_102] : memref<1x1024x192xbf16, #tpu.memory_space<vmem>>, vector<1x1024x192xbf16>
      %get3A_104 = vector.shape_cast %get3A_103 : vector<1x1024x192xbf16> to vector<1024x192xbf16>
      %dot_general3A_105 = arith.constant dense<0.000000e+00> : vector<2048x192xf32>
      %dot_general3A_106 = tpu.matmul %get3A_99, %get3A_104, %dot_general3A_105 {dimension_numbers = #tpu.dot_dimension_numbers<[1], [0], [0], [1], [0, 0, 1, 1], [], []>, transpose_lhs_hint = false} : vector<2048x1024xbf16>, vector<1024x192xbf16>, vector<2048x192xf32> -> vector<2048x192xf32>
      %slice3A = vector.extract_strided_slice %dot_general3A_106 {offsets = [0, 0], sizes = [2048, 64], strides = [1, 1]} : vector<2048x192xf32> to vector<2048x64xf32>
      %mul3A_107 = arith.constant 1.250000e-01 : f32
      %mul3A_108 = vector.broadcast %mul3A_107 : f32 to vector<2048x64xf32>
      %mul3A_109 = arith.mulf %slice3A, %mul3A_108 : vector<2048x64xf32>
      %convert_element_type3A_110 = arith.truncf %mul3A_109 : vector<2048x64xf32> to vector<2048x64xbf16>
      %swap3A_111 = arith.constant 0 : index
      %swap3A_112 = arith.constant 0 : index
      %swap3A_113 = vector.load %arg7[%swap3A_111, %swap3A_112] : memref<2048x64xbf16, #tpu.memory_space<vmem>>, vector<2048x64xbf16>
      tpu.vector_store %arg7[%swap3A_111, %swap3A_112], %convert_element_type3A_110 {strides = array<i32>} : memref<2048x64xbf16, #tpu.memory_space<vmem>>, vector<2048x64xbf16>,
      %slice3A_114 = vector.extract_strided_slice %dot_general3A_106 {offsets = [0, 64], sizes = [2048, 64], strides = [1, 1]} : vector<2048x192xf32> to vector<2048x64xf32>
      %convert_element_type3A_115 = arith.truncf %slice3A_114 : vector<2048x64xf32> to vector<2048x64xbf16>
      %swap3A_116 = arith.constant 0 : index
      %swap3A_117 = arith.constant 0 : index
      %swap3A_118 = vector.load %arg8[%swap3A_116, %swap3A_117] : memref<2048x64xbf16, #tpu.memory_space<vmem>>, vector<2048x64xbf16>
      tpu.vector_store %arg8[%swap3A_116, %swap3A_117], %convert_element_type3A_115 {strides = array<i32>} : memref<2048x64xbf16, #tpu.memory_space<vmem>>, vector<2048x64xbf16>,
      %slice3A_119 = vector.extract_strided_slice %dot_general3A_106 {offsets = [0, 128], sizes = [2048, 64], strides = [1, 1]} : vector<2048x192xf32> to vector<2048x64xf32>
      %convert_element_type3A_120 = arith.truncf %slice3A_119 : vector<2048x64xf32> to vector<2048x64xbf16>
      %swap3A_121 = arith.constant 0 : index
      %swap3A_122 = arith.constant 0 : index
      %swap3A_123 = vector.load %arg9[%swap3A_121, %swap3A_122] : memref<2048x64xbf16, #tpu.memory_space<vmem>>, vector<2048x64xbf16>
      tpu.vector_store %arg9[%swap3A_121, %swap3A_122], %convert_element_type3A_120 {strides = array<i32>} : memref<2048x64xbf16, #tpu.memory_space<vmem>>, vector<2048x64xbf16>,
      %swap3A_124 = arith.constant 0.000000e+00 : f32
      %swap3A_125 = arith.constant 0 : index
      %swap3A_126 = arith.constant 0 : index
      %swap3A_127 = arith.constant 0 : index
      %swap3A_128 = memref.load %arg6[%swap3A_125, %swap3A_126, %swap3A_127] : memref<1x1x1xf32, #tpu.memory_space<smem>>
      memref.store %swap3A_124, %arg6[%swap3A_125, %swap3A_126, %swap3A_127] : memref<1x1x1xf32, #tpu.memory_space<smem>>
    } else {
    }
    %mul3A = arith.constant 1024 : i32
    %mul3A_2 = arith.muli %arg2, %mul3A : i32
    %add3A = arith.constant 0 : i32
    %add3A_3 = arith.addi %mul3A_2, %add3A : i32
    %get3A = arith.index_cast %add3A_3 : i32 to index
    %get3A_4 = arith.constant 0 : index
    %get3A_5 = vector.load %arg7[%get3A, %get3A_4] : memref<2048x64xbf16, #tpu.memory_space<vmem>>, vector<512x64xbf16>
    %get3A_6 = arith.constant 0 : index
    %get3A_7 = arith.constant 0 : index
    %get3A_8 = vector.load %arg8[%get3A_6, %get3A_7] : memref<2048x64xbf16, #tpu.memory_space<vmem>>, vector<2048x64xbf16>
    %dot_general3A = arith.constant dense<0.000000e+00> : vector<512x2048xf32>
    %dot_general3A_9 = tpu.matmul %get3A_5, %get3A_8, %dot_general3A {dimension_numbers = #tpu.dot_dimension_numbers<[1], [1], [0], [0], [0, 0, 1, 0], [], []>, transpose_lhs_hint = false} : vector<512x64xbf16>, vector<2048x64xbf16>, vector<512x2048xf32> -> vector<512x2048xf32>
    %exp3A = math.exp %dot_general3A_9 : vector<512x2048xf32>
    %reduce_sum3A = arith.constant dense<0.000000e+00> : vector<512xf32>
    %reduce_sum3A_10 = vector.multi_reduction <add>, %exp3A, %reduce_sum3A [1] : vector<512x2048xf32> to vector<512xf32>
    %broadcast_in_dim3A = vector.shape_cast %reduce_sum3A_10 : vector<512xf32> to vector<512x1xf32>
    %mul3A_11 = arith.mulf %exp3A, %dot_general3A_9 : vector<512x2048xf32>
    %reduce_sum3A_12 = arith.constant dense<0.000000e+00> : vector<512xf32>
    %reduce_sum3A_13 = vector.multi_reduction <add>, %mul3A_11, %reduce_sum3A_12 [1] : vector<512x2048xf32> to vector<512xf32>
    %broadcast_in_dim3A_14 = vector.shape_cast %reduce_sum3A_13 : vector<512xf32> to vector<512x1xf32>
    %div3A = arith.constant 1.000000e+00 : f32
    %div3A_15 = vector.broadcast %div3A : f32 to vector<512x1xf32>
    %div3A_16 = arith.divf %div3A_15, %broadcast_in_dim3A : vector<512x1xf32>
    %convert_element_type3A_17 = arith.truncf %exp3A : vector<512x2048xf32> to vector<512x2048xbf16>
    %get3A_18 = arith.constant 0 : index
    %get3A_19 = arith.constant 0 : index
    %get3A_20 = vector.load %arg9[%get3A_18, %get3A_19] : memref<2048x64xbf16, #tpu.memory_space<vmem>>, vector<2048x64xbf16>
    %dot_general3A_21 = arith.constant dense<0.000000e+00> : vector<512x64xf32>
    %dot_general3A_22 = tpu.matmul %convert_element_type3A_17, %get3A_20, %dot_general3A_21 {dimension_numbers = #tpu.dot_dimension_numbers<[1], [0], [0], [1], [0, 0, 1, 1], [], []>, transpose_lhs_hint = false} : vector<512x2048xbf16>, vector<2048x64xbf16>, vector<512x64xf32> -> vector<512x64xf32>
    %mul3A_23 = vector.broadcast %div3A_16 : vector<512x1xf32> to vector<512x64xf32>
    %mul3A_24 = arith.mulf %dot_general3A_22, %mul3A_23 : vector<512x64xf32>
    %swap3A = arith.constant 0 : index
    %swap3A_25 = arith.constant 0 : index
    %swap3A_26 = arith.constant 0 : index
    %swap3A_27 = arith.constant 0 : index
    %swap3A_28 = vector.load %arg5[%swap3A, %swap3A_25, %swap3A_26, %swap3A_27] : memref<1x1x1024x64xf32, #tpu.memory_space<vmem>>, vector<1x1x512x64xf32>
    %swap3A_29 = vector.shape_cast %swap3A_28 : vector<1x1x512x64xf32> to vector<512x64xf32>
    %swap3A_30 = vector.shape_cast %mul3A_24 : vector<512x64xf32> to vector<1x1x512x64xf32>
    tpu.vector_store %arg5[%swap3A, %swap3A_25, %swap3A_26, %swap3A_27], %swap3A_30 {strides = array<i32>} : memref<1x1x1024x64xf32, #tpu.memory_space<vmem>>, vector<1x1x512x64xf32>,
    %log3A = math.log %broadcast_in_dim3A : vector<512x1xf32>
    %mul3A_31 = arith.mulf %broadcast_in_dim3A_14, %div3A_16 : vector<512x1xf32>
    %sub3A = arith.subf %log3A, %mul3A_31 : vector<512x1xf32>
    %reduce_sum3A_32 = vector.shape_cast %sub3A : vector<512x1xf32> to vector<1x512x1xf32>
    %reduce_sum3A_33 = arith.constant dense<0.000000e+00> : vector<1xf32>
    %reduce_sum3A_34 = vector.multi_reduction <add>, %reduce_sum3A_32, %reduce_sum3A_33 [1, 2] : vector<1x512x1xf32> to vector<1xf32>
    %reduce_sum3A_35 = vector.shape_cast %reduce_sum3A_34 : vector<1xf32> to vector<1x1x1xf32>
    %reduce_sum3A_36 = vector.extract %reduce_sum3A_35[0, 0, 0] : f32 from vector<1x1x1xf32>
    %add3A_37 = arith.constant 0.000000e+00 : f32
    %add3A_38 = arith.addf %add3A_37, %reduce_sum3A_36 : f32
    %mul3A_39 = arith.constant 1024 : i32
    %mul3A_40 = arith.muli %arg2, %mul3A_39 : i32
    %add3A_41 = arith.constant 512 : i32
    %add3A_42 = arith.addi %mul3A_40, %add3A_41 : i32
    %get3A_43 = arith.index_cast %add3A_42 : i32 to index
    %get3A_44 = arith.constant 0 : index
    %get3A_45 = vector.load %arg7[%get3A_43, %get3A_44] : memref<2048x64xbf16, #tpu.memory_space<vmem>>, vector<512x64xbf16>
    %get3A_46 = arith.constant 0 : index
    %get3A_47 = arith.constant 0 : index
    %get3A_48 = vector.load %arg8[%get3A_46, %get3A_47] : memref<2048x64xbf16, #tpu.memory_space<vmem>>, vector<2048x64xbf16>
    %dot_general3A_49 = arith.constant dense<0.000000e+00> : vector<512x2048xf32>
    %dot_general3A_50 = tpu.matmul %get3A_45, %get3A_48, %dot_general3A_49 {dimension_numbers = #tpu.dot_dimension_numbers<[1], [1], [0], [0], [0, 0, 1, 0], [], []>, transpose_lhs_hint = false} : vector<512x64xbf16>, vector<2048x64xbf16>, vector<512x2048xf32> -> vector<512x2048xf32>
    %exp3A_51 = math.exp %dot_general3A_50 : vector<512x2048xf32>
    %reduce_sum3A_52 = arith.constant dense<0.000000e+00> : vector<512xf32>
    %reduce_sum3A_53 = vector.multi_reduction <add>, %exp3A_51, %reduce_sum3A_52 [1] : vector<512x2048xf32> to vector<512xf32>
    %broadcast_in_dim3A_54 = vector.shape_cast %reduce_sum3A_53 : vector<512xf32> to vector<512x1xf32>
    %mul3A_55 = arith.mulf %exp3A_51, %dot_general3A_50 : vector<512x2048xf32>
    %reduce_sum3A_56 = arith.constant dense<0.000000e+00> : vector<512xf32>
    %reduce_sum3A_57 = vector.multi_reduction <add>, %mul3A_55, %reduce_sum3A_56 [1] : vector<512x2048xf32> to vector<512xf32>
    %broadcast_in_dim3A_58 = vector.shape_cast %reduce_sum3A_57 : vector<512xf32> to vector<512x1xf32>
    %div3A_59 = arith.constant 1.000000e+00 : f32
    %div3A_60 = vector.broadcast %div3A_59 : f32 to vector<512x1xf32>
    %div3A_61 = arith.divf %div3A_60, %broadcast_in_dim3A_54 : vector<512x1xf32>
    %convert_element_type3A_62 = arith.truncf %exp3A_51 : vector<512x2048xf32> to vector<512x2048xbf16>
    %get3A_63 = arith.constant 0 : index
    %get3A_64 = arith.constant 0 : index
    %get3A_65 = vector.load %arg9[%get3A_63, %get3A_64] : memref<2048x64xbf16, #tpu.memory_space<vmem>>, vector<2048x64xbf16>
    %dot_general3A_66 = arith.constant dense<0.000000e+00> : vector<512x64xf32>
    %dot_general3A_67 = tpu.matmul %convert_element_type3A_62, %get3A_65, %dot_general3A_66 {dimension_numbers = #tpu.dot_dimension_numbers<[1], [0], [0], [1], [0, 0, 1, 1], [], []>, transpose_lhs_hint = false} : vector<512x2048xbf16>, vector<2048x64xbf16>, vector<512x64xf32> -> vector<512x64xf32>
    %mul3A_68 = vector.broadcast %div3A_61 : vector<512x1xf32> to vector<512x64xf32>
    %mul3A_69 = arith.mulf %dot_general3A_67, %mul3A_68 : vector<512x64xf32>
    %swap3A_70 = arith.constant 0 : index
    %swap3A_71 = arith.constant 0 : index
    %swap3A_72 = arith.constant 512 : index
    %swap3A_73 = arith.constant 0 : index
    %swap3A_74 = vector.load %arg5[%swap3A_70, %swap3A_71, %swap3A_72, %swap3A_73] : memref<1x1x1024x64xf32, #tpu.memory_space<vmem>>, vector<1x1x512x64xf32>
    %swap3A_75 = vector.shape_cast %swap3A_74 : vector<1x1x512x64xf32> to vector<512x64xf32>
    %swap3A_76 = vector.shape_cast %mul3A_69 : vector<512x64xf32> to vector<1x1x512x64xf32>
    tpu.vector_store %arg5[%swap3A_70, %swap3A_71, %swap3A_72, %swap3A_73], %swap3A_76 {strides = array<i32>} : memref<1x1x1024x64xf32, #tpu.memory_space<vmem>>, vector<1x1x512x64xf32>,
    %log3A_77 = math.log %broadcast_in_dim3A_54 : vector<512x1xf32>
    %mul3A_78 = arith.mulf %broadcast_in_dim3A_58, %div3A_61 : vector<512x1xf32>
    %sub3A_79 = arith.subf %log3A_77, %mul3A_78 : vector<512x1xf32>
    %reduce_sum3A_80 = vector.shape_cast %sub3A_79 : vector<512x1xf32> to vector<1x512x1xf32>
    %reduce_sum3A_81 = arith.constant dense<0.000000e+00> : vector<1xf32>
    %reduce_sum3A_82 = vector.multi_reduction <add>, %reduce_sum3A_80, %reduce_sum3A_81 [1, 2] : vector<1x512x1xf32> to vector<1xf32>
    %reduce_sum3A_83 = vector.shape_cast %reduce_sum3A_82 : vector<1xf32> to vector<1x1x1xf32>
    %reduce_sum3A_84 = vector.extract %reduce_sum3A_83[0, 0, 0] : f32 from vector<1x1x1xf32>
    %add3A_85 = arith.addf %add3A_38, %reduce_sum3A_84 : f32
    %get3A_86 = arith.constant 0 : index
    %get3A_87 = arith.constant 0 : index
    %get3A_88 = arith.constant 0 : index
    %get3A_89 = memref.load %arg6[%get3A_86, %get3A_87, %get3A_88] : memref<1x1x1xf32, #tpu.memory_space<smem>>
    %add3A_90 = arith.addf %get3A_89, %add3A_85 : f32
    %swap3A_91 = arith.constant 0 : index
    %swap3A_92 = arith.constant 0 : index
    %swap3A_93 = arith.constant 0 : index
    %swap3A_94 = memref.load %arg6[%swap3A_91, %swap3A_92, %swap3A_93] : memref<1x1x1xf32, #tpu.memory_space<smem>>
    memref.store %add3A_90, %arg6[%swap3A_91, %swap3A_92, %swap3A_93] : memref<1x1x1xf32, #tpu.memory_space<smem>>
    return
  }
  func.func @transform_0(%arg0: i32, %arg1: i32, %arg2: i32) -> (i32, i32, i32) {
    %c0_i32 = arith.constant 0 : i32
    %c0_i32_0 = arith.constant 0 : i32
    %c0_i32_1 = arith.constant 0 : i32
    return %arg0, %c0_i32, %c0_i32_0 : i32, i32, i32
  }
  func.func @transform_1(%arg0: i32, %arg1: i32, %arg2: i32) -> (i32, i32, i32) {
    %c0_i32 = arith.constant 0 : i32
    %c0_i32_0 = arith.constant 0 : i32
    %c0_i32_1 = arith.constant 0 : i32
    return %arg1, %c0_i32, %c0_i32_0 : i32, i32, i32
  }
  func.func @transform_2(%arg0: i32, %arg1: i32, %arg2: i32) -> (i32, i32, i32, i32) {
    %c0_i32 = arith.constant 0 : i32
    %c0_i32_0 = arith.constant 0 : i32
    return %arg0, %arg1, %arg2, %c0_i32 : i32, i32, i32, i32
  }
  func.func @transform_3(%arg0: i32, %arg1: i32, %arg2: i32) -> (i32, i32, i32) {
    %mul3A = arith.constant 8 : i32
    %mul3A_0 = arith.muli %arg0, %mul3A : i32
    %add3A = arith.addi %mul3A_0, %arg1 : i32
    %c0_i32 = arith.constant 0 : i32
    %c0_i32_1 = arith.constant 0 : i32
    %c0_i32_2 = arith.constant 0 : i32
    return %add3A, %c0_i32, %c0_i32_1 : i32, i32, i32
  }
}

module attributes {stable_mosaic.version = 14 : i64} {
  func.func @_combine_kernel(%arg0: i32, %arg1: memref<1x8x2048x64xf32, #tpu.memory_space<vmem>>, %arg2: memref<1x1x8xf32, #tpu.memory_space<smem>>, %arg3: memref<8x64x1024xf32, #tpu.memory_space<vmem>>, %arg4: memref<1x2048x1024xf32, #tpu.memory_space<vmem>>) attributes {dimension_semantics = [#tpu.dimension_semantics<arbitrary>], iteration_bounds = array<i64: 2>, scalar_prefetch = 0 : i64, scratch_operands = 0 : i64, tpu.core_type = #tpu.core_type<tc>, window_params = [{transform_indices = @transform_0, window_bounds = array<i64: 1, 8, 2048, 64>}, {transform_indices = @transform_1, window_bounds = array<i64: 1, 1, 8>}, {pipeline_mode = #tpu.pipeline_mode<synchronous>, transform_indices = @transform_2, window_bounds = array<i64: 8, 64, 1024>}, {transform_indices = @transform_3, window_bounds = array<i64: 1, 2048, 1024>}]} {
    %get3A = arith.constant 0 : index
    %get3A_0 = arith.constant 0 : index
    %get3A_1 = arith.constant 0 : index
    %get3A_2 = arith.constant 0 : index
    %get3A_3 = vector.load %arg1[%get3A, %get3A_0, %get3A_1, %get3A_2] : memref<1x8x2048x64xf32, #tpu.memory_space<vmem>>, vector<1x1x2048x64xf32>
    %get3A_4 = vector.shape_cast %get3A_3 : vector<1x1x2048x64xf32> to vector<2048x64xf32>
    %get3A_5 = arith.constant 0 : index
    %get3A_6 = arith.constant 0 : index
    %get3A_7 = arith.constant 0 : index
    %get3A_8 = memref.load %arg2[%get3A_5, %get3A_6, %get3A_7] : memref<1x1x8xf32, #tpu.memory_space<smem>>
    %mul3A = vector.broadcast %get3A_8 : f32 to vector<2048x64xf32>
    %mul3A_9 = arith.mulf %get3A_4, %mul3A : vector<2048x64xf32>
    %get3A_10 = arith.constant 0 : index
    %get3A_11 = arith.constant 0 : index
    %get3A_12 = arith.constant 0 : index
    %get3A_13 = vector.load %arg3[%get3A_10, %get3A_11, %get3A_12] : memref<8x64x1024xf32, #tpu.memory_space<vmem>>, vector<1x64x1024xf32>
    %get3A_14 = vector.shape_cast %get3A_13 : vector<1x64x1024xf32> to vector<64x1024xf32>
    %get3A_15 = arith.constant 0 : index
    %get3A_16 = arith.constant 0 : index
    %get3A_17 = arith.constant 0 : index
    %get3A_18 = memref.load %arg2[%get3A_15, %get3A_16, %get3A_17] : memref<1x1x8xf32, #tpu.memory_space<smem>>
    %mul3A_19 = vector.broadcast %get3A_18 : f32 to vector<64x1024xf32>
    %mul3A_20 = arith.mulf %get3A_14, %mul3A_19 : vector<64x1024xf32>
    %get3A_21 = arith.constant 0 : index
    %get3A_22 = arith.constant 1 : index
    %get3A_23 = arith.constant 0 : index
    %get3A_24 = arith.constant 0 : index
    %get3A_25 = vector.load %arg1[%get3A_21, %get3A_22, %get3A_23, %get3A_24] : memref<1x8x2048x64xf32, #tpu.memory_space<vmem>>, vector<1x1x2048x64xf32>
    %get3A_26 = vector.shape_cast %get3A_25 : vector<1x1x2048x64xf32> to vector<2048x64xf32>
    %get3A_27 = arith.constant 0 : index
    %get3A_28 = arith.constant 0 : index
    %get3A_29 = arith.constant 1 : index
    %get3A_30 = memref.load %arg2[%get3A_27, %get3A_28, %get3A_29] : memref<1x1x8xf32, #tpu.memory_space<smem>>
    %mul3A_31 = vector.broadcast %get3A_30 : f32 to vector<2048x64xf32>
    %mul3A_32 = arith.mulf %get3A_26, %mul3A_31 : vector<2048x64xf32>
    %add3A = arith.addf %mul3A_9, %mul3A_32 : vector<2048x64xf32>
    %get3A_33 = arith.constant 1 : index
    %get3A_34 = arith.constant 0 : index
    %get3A_35 = arith.constant 0 : index
    %get3A_36 = vector.load %arg3[%get3A_33, %get3A_34, %get3A_35] : memref<8x64x1024xf32, #tpu.memory_space<vmem>>, vector<1x64x1024xf32>
    %get3A_37 = vector.shape_cast %get3A_36 : vector<1x64x1024xf32> to vector<64x1024xf32>
    %get3A_38 = arith.constant 0 : index
    %get3A_39 = arith.constant 0 : index
    %get3A_40 = arith.constant 1 : index
    %get3A_41 = memref.load %arg2[%get3A_38, %get3A_39, %get3A_40] : memref<1x1x8xf32, #tpu.memory_space<smem>>
    %mul3A_42 = vector.broadcast %get3A_41 : f32 to vector<64x1024xf32>
    %mul3A_43 = arith.mulf %get3A_37, %mul3A_42 : vector<64x1024xf32>
    %add3A_44 = arith.addf %mul3A_20, %mul3A_43 : vector<64x1024xf32>
    %get3A_45 = arith.constant 0 : index
    %get3A_46 = arith.constant 2 : index
    %get3A_47 = arith.constant 0 : index
    %get3A_48 = arith.constant 0 : index
    %get3A_49 = vector.load %arg1[%get3A_45, %get3A_46, %get3A_47, %get3A_48] : memref<1x8x2048x64xf32, #tpu.memory_space<vmem>>, vector<1x1x2048x64xf32>
    %get3A_50 = vector.shape_cast %get3A_49 : vector<1x1x2048x64xf32> to vector<2048x64xf32>
    %get3A_51 = arith.constant 0 : index
    %get3A_52 = arith.constant 0 : index
    %get3A_53 = arith.constant 2 : index
    %get3A_54 = memref.load %arg2[%get3A_51, %get3A_52, %get3A_53] : memref<1x1x8xf32, #tpu.memory_space<smem>>
    %mul3A_55 = vector.broadcast %get3A_54 : f32 to vector<2048x64xf32>
    %mul3A_56 = arith.mulf %get3A_50, %mul3A_55 : vector<2048x64xf32>
    %add3A_57 = arith.addf %add3A, %mul3A_56 : vector<2048x64xf32>
    %get3A_58 = arith.constant 2 : index
    %get3A_59 = arith.constant 0 : index
    %get3A_60 = arith.constant 0 : index
    %get3A_61 = vector.load %arg3[%get3A_58, %get3A_59, %get3A_60] : memref<8x64x1024xf32, #tpu.memory_space<vmem>>, vector<1x64x1024xf32>
    %get3A_62 = vector.shape_cast %get3A_61 : vector<1x64x1024xf32> to vector<64x1024xf32>
    %get3A_63 = arith.constant 0 : index
    %get3A_64 = arith.constant 0 : index
    %get3A_65 = arith.constant 2 : index
    %get3A_66 = memref.load %arg2[%get3A_63, %get3A_64, %get3A_65] : memref<1x1x8xf32, #tpu.memory_space<smem>>
    %mul3A_67 = vector.broadcast %get3A_66 : f32 to vector<64x1024xf32>
    %mul3A_68 = arith.mulf %get3A_62, %mul3A_67 : vector<64x1024xf32>
    %add3A_69 = arith.addf %add3A_44, %mul3A_68 : vector<64x1024xf32>
    %get3A_70 = arith.constant 0 : index
    %get3A_71 = arith.constant 3 : index
    %get3A_72 = arith.constant 0 : index
    %get3A_73 = arith.constant 0 : index
    %get3A_74 = vector.load %arg1[%get3A_70, %get3A_71, %get3A_72, %get3A_73] : memref<1x8x2048x64xf32, #tpu.memory_space<vmem>>, vector<1x1x2048x64xf32>
    %get3A_75 = vector.shape_cast %get3A_74 : vector<1x1x2048x64xf32> to vector<2048x64xf32>
    %get3A_76 = arith.constant 0 : index
    %get3A_77 = arith.constant 0 : index
    %get3A_78 = arith.constant 3 : index
    %get3A_79 = memref.load %arg2[%get3A_76, %get3A_77, %get3A_78] : memref<1x1x8xf32, #tpu.memory_space<smem>>
    %mul3A_80 = vector.broadcast %get3A_79 : f32 to vector<2048x64xf32>
    %mul3A_81 = arith.mulf %get3A_75, %mul3A_80 : vector<2048x64xf32>
    %add3A_82 = arith.addf %add3A_57, %mul3A_81 : vector<2048x64xf32>
    %get3A_83 = arith.constant 3 : index
    %get3A_84 = arith.constant 0 : index
    %get3A_85 = arith.constant 0 : index
    %get3A_86 = vector.load %arg3[%get3A_83, %get3A_84, %get3A_85] : memref<8x64x1024xf32, #tpu.memory_space<vmem>>, vector<1x64x1024xf32>
    %get3A_87 = vector.shape_cast %get3A_86 : vector<1x64x1024xf32> to vector<64x1024xf32>
    %get3A_88 = arith.constant 0 : index
    %get3A_89 = arith.constant 0 : index
    %get3A_90 = arith.constant 3 : index
    %get3A_91 = memref.load %arg2[%get3A_88, %get3A_89, %get3A_90] : memref<1x1x8xf32, #tpu.memory_space<smem>>
    %mul3A_92 = vector.broadcast %get3A_91 : f32 to vector<64x1024xf32>
    %mul3A_93 = arith.mulf %get3A_87, %mul3A_92 : vector<64x1024xf32>
    %add3A_94 = arith.addf %add3A_69, %mul3A_93 : vector<64x1024xf32>
    %get3A_95 = arith.constant 0 : index
    %get3A_96 = arith.constant 4 : index
    %get3A_97 = arith.constant 0 : index
    %get3A_98 = arith.constant 0 : index
    %get3A_99 = vector.load %arg1[%get3A_95, %get3A_96, %get3A_97, %get3A_98] : memref<1x8x2048x64xf32, #tpu.memory_space<vmem>>, vector<1x1x2048x64xf32>
    %get3A_100 = vector.shape_cast %get3A_99 : vector<1x1x2048x64xf32> to vector<2048x64xf32>
    %get3A_101 = arith.constant 0 : index
    %get3A_102 = arith.constant 0 : index
    %get3A_103 = arith.constant 4 : index
    %get3A_104 = memref.load %arg2[%get3A_101, %get3A_102, %get3A_103] : memref<1x1x8xf32, #tpu.memory_space<smem>>
    %mul3A_105 = vector.broadcast %get3A_104 : f32 to vector<2048x64xf32>
    %mul3A_106 = arith.mulf %get3A_100, %mul3A_105 : vector<2048x64xf32>
    %add3A_107 = arith.addf %add3A_82, %mul3A_106 : vector<2048x64xf32>
    %get3A_108 = arith.constant 4 : index
    %get3A_109 = arith.constant 0 : index
    %get3A_110 = arith.constant 0 : index
    %get3A_111 = vector.load %arg3[%get3A_108, %get3A_109, %get3A_110] : memref<8x64x1024xf32, #tpu.memory_space<vmem>>, vector<1x64x1024xf32>
    %get3A_112 = vector.shape_cast %get3A_111 : vector<1x64x1024xf32> to vector<64x1024xf32>
    %get3A_113 = arith.constant 0 : index
    %get3A_114 = arith.constant 0 : index
    %get3A_115 = arith.constant 4 : index
    %get3A_116 = memref.load %arg2[%get3A_113, %get3A_114, %get3A_115] : memref<1x1x8xf32, #tpu.memory_space<smem>>
    %mul3A_117 = vector.broadcast %get3A_116 : f32 to vector<64x1024xf32>
    %mul3A_118 = arith.mulf %get3A_112, %mul3A_117 : vector<64x1024xf32>
    %add3A_119 = arith.addf %add3A_94, %mul3A_118 : vector<64x1024xf32>
    %get3A_120 = arith.constant 0 : index
    %get3A_121 = arith.constant 5 : index
    %get3A_122 = arith.constant 0 : index
    %get3A_123 = arith.constant 0 : index
    %get3A_124 = vector.load %arg1[%get3A_120, %get3A_121, %get3A_122, %get3A_123] : memref<1x8x2048x64xf32, #tpu.memory_space<vmem>>, vector<1x1x2048x64xf32>
    %get3A_125 = vector.shape_cast %get3A_124 : vector<1x1x2048x64xf32> to vector<2048x64xf32>
    %get3A_126 = arith.constant 0 : index
    %get3A_127 = arith.constant 0 : index
    %get3A_128 = arith.constant 5 : index
    %get3A_129 = memref.load %arg2[%get3A_126, %get3A_127, %get3A_128] : memref<1x1x8xf32, #tpu.memory_space<smem>>
    %mul3A_130 = vector.broadcast %get3A_129 : f32 to vector<2048x64xf32>
    %mul3A_131 = arith.mulf %get3A_125, %mul3A_130 : vector<2048x64xf32>
    %add3A_132 = arith.addf %add3A_107, %mul3A_131 : vector<2048x64xf32>
    %get3A_133 = arith.constant 5 : index
    %get3A_134 = arith.constant 0 : index
    %get3A_135 = arith.constant 0 : index
    %get3A_136 = vector.load %arg3[%get3A_133, %get3A_134, %get3A_135] : memref<8x64x1024xf32, #tpu.memory_space<vmem>>, vector<1x64x1024xf32>
    %get3A_137 = vector.shape_cast %get3A_136 : vector<1x64x1024xf32> to vector<64x1024xf32>
    %get3A_138 = arith.constant 0 : index
    %get3A_139 = arith.constant 0 : index
    %get3A_140 = arith.constant 5 : index
    %get3A_141 = memref.load %arg2[%get3A_138, %get3A_139, %get3A_140] : memref<1x1x8xf32, #tpu.memory_space<smem>>
    %mul3A_142 = vector.broadcast %get3A_141 : f32 to vector<64x1024xf32>
    %mul3A_143 = arith.mulf %get3A_137, %mul3A_142 : vector<64x1024xf32>
    %add3A_144 = arith.addf %add3A_119, %mul3A_143 : vector<64x1024xf32>
    %get3A_145 = arith.constant 0 : index
    %get3A_146 = arith.constant 6 : index
    %get3A_147 = arith.constant 0 : index
    %get3A_148 = arith.constant 0 : index
    %get3A_149 = vector.load %arg1[%get3A_145, %get3A_146, %get3A_147, %get3A_148] : memref<1x8x2048x64xf32, #tpu.memory_space<vmem>>, vector<1x1x2048x64xf32>
    %get3A_150 = vector.shape_cast %get3A_149 : vector<1x1x2048x64xf32> to vector<2048x64xf32>
    %get3A_151 = arith.constant 0 : index
    %get3A_152 = arith.constant 0 : index
    %get3A_153 = arith.constant 6 : index
    %get3A_154 = memref.load %arg2[%get3A_151, %get3A_152, %get3A_153] : memref<1x1x8xf32, #tpu.memory_space<smem>>
    %mul3A_155 = vector.broadcast %get3A_154 : f32 to vector<2048x64xf32>
    %mul3A_156 = arith.mulf %get3A_150, %mul3A_155 : vector<2048x64xf32>
    %add3A_157 = arith.addf %add3A_132, %mul3A_156 : vector<2048x64xf32>
    %get3A_158 = arith.constant 6 : index
    %get3A_159 = arith.constant 0 : index
    %get3A_160 = arith.constant 0 : index
    %get3A_161 = vector.load %arg3[%get3A_158, %get3A_159, %get3A_160] : memref<8x64x1024xf32, #tpu.memory_space<vmem>>, vector<1x64x1024xf32>
    %get3A_162 = vector.shape_cast %get3A_161 : vector<1x64x1024xf32> to vector<64x1024xf32>
    %get3A_163 = arith.constant 0 : index
    %get3A_164 = arith.constant 0 : index
    %get3A_165 = arith.constant 6 : index
    %get3A_166 = memref.load %arg2[%get3A_163, %get3A_164, %get3A_165] : memref<1x1x8xf32, #tpu.memory_space<smem>>
    %mul3A_167 = vector.broadcast %get3A_166 : f32 to vector<64x1024xf32>
    %mul3A_168 = arith.mulf %get3A_162, %mul3A_167 : vector<64x1024xf32>
    %add3A_169 = arith.addf %add3A_144, %mul3A_168 : vector<64x1024xf32>
    %get3A_170 = arith.constant 0 : index
    %get3A_171 = arith.constant 7 : index
    %get3A_172 = arith.constant 0 : index
    %get3A_173 = arith.constant 0 : index
    %get3A_174 = vector.load %arg1[%get3A_170, %get3A_171, %get3A_172, %get3A_173] : memref<1x8x2048x64xf32, #tpu.memory_space<vmem>>, vector<1x1x2048x64xf32>
    %get3A_175 = vector.shape_cast %get3A_174 : vector<1x1x2048x64xf32> to vector<2048x64xf32>
    %get3A_176 = arith.constant 0 : index
    %get3A_177 = arith.constant 0 : index
    %get3A_178 = arith.constant 7 : index
    %get3A_179 = memref.load %arg2[%get3A_176, %get3A_177, %get3A_178] : memref<1x1x8xf32, #tpu.memory_space<smem>>
    %mul3A_180 = vector.broadcast %get3A_179 : f32 to vector<2048x64xf32>
    %mul3A_181 = arith.mulf %get3A_175, %mul3A_180 : vector<2048x64xf32>
    %add3A_182 = arith.addf %add3A_157, %mul3A_181 : vector<2048x64xf32>
    %get3A_183 = arith.constant 7 : index
    %get3A_184 = arith.constant 0 : index
    %get3A_185 = arith.constant 0 : index
    %get3A_186 = vector.load %arg3[%get3A_183, %get3A_184, %get3A_185] : memref<8x64x1024xf32, #tpu.memory_space<vmem>>, vector<1x64x1024xf32>
    %get3A_187 = vector.shape_cast %get3A_186 : vector<1x64x1024xf32> to vector<64x1024xf32>
    %get3A_188 = arith.constant 0 : index
    %get3A_189 = arith.constant 0 : index
    %get3A_190 = arith.constant 7 : index
    %get3A_191 = memref.load %arg2[%get3A_188, %get3A_189, %get3A_190] : memref<1x1x8xf32, #tpu.memory_space<smem>>
    %mul3A_192 = vector.broadcast %get3A_191 : f32 to vector<64x1024xf32>
    %mul3A_193 = arith.mulf %get3A_187, %mul3A_192 : vector<64x1024xf32>
    %add3A_194 = arith.addf %add3A_169, %mul3A_193 : vector<64x1024xf32>
    %convert_element_type3A = arith.truncf %add3A_182 : vector<2048x64xf32> to vector<2048x64xbf16>
    %convert_element_type3A_195 = arith.truncf %add3A_194 : vector<64x1024xf32> to vector<64x1024xbf16>
    %dot_general3A = arith.constant dense<0.000000e+00> : vector<2048x1024xf32>
    %dot_general3A_196 = tpu.matmul %convert_element_type3A, %convert_element_type3A_195, %dot_general3A {dimension_numbers = #tpu.dot_dimension_numbers<[1], [0], [0], [1], [0, 0, 1, 1], [], []>, transpose_lhs_hint = false} : vector<2048x64xbf16>, vector<64x1024xbf16>, vector<2048x1024xf32> -> vector<2048x1024xf32>
    %swap3A = arith.constant 0 : index
    %swap3A_197 = arith.constant 0 : index
    %swap3A_198 = arith.constant 0 : index
    %swap3A_199 = vector.load %arg4[%swap3A, %swap3A_197, %swap3A_198] : memref<1x2048x1024xf32, #tpu.memory_space<vmem>>, vector<1x2048x1024xf32>
    %swap3A_200 = vector.shape_cast %swap3A_199 : vector<1x2048x1024xf32> to vector<2048x1024xf32>
    %swap3A_201 = vector.shape_cast %dot_general3A_196 : vector<2048x1024xf32> to vector<1x2048x1024xf32>
    tpu.vector_store %arg4[%swap3A, %swap3A_197, %swap3A_198], %swap3A_201 {strides = array<i32>} : memref<1x2048x1024xf32, #tpu.memory_space<vmem>>, vector<1x2048x1024xf32>,
    return
  }
  func.func @transform_0(%arg0: i32) -> (i32, i32, i32, i32) {
    %c0_i32 = arith.constant 0 : i32
    %c0_i32_0 = arith.constant 0 : i32
    %c0_i32_1 = arith.constant 0 : i32
    %c0_i32_2 = arith.constant 0 : i32
    return %arg0, %c0_i32, %c0_i32_0, %c0_i32_1 : i32, i32, i32, i32
  }
  func.func @transform_1(%arg0: i32) -> (i32, i32, i32) {
    %c0_i32 = arith.constant 0 : i32
    %c0_i32_0 = arith.constant 0 : i32
    %c0_i32_1 = arith.constant 0 : i32
    return %arg0, %c0_i32, %c0_i32_0 : i32, i32, i32
  }
  func.func @transform_2(%arg0: i32) -> (i32, i32, i32) {
    %c0_i32 = arith.constant 0 : i32
    %c0_i32_0 = arith.constant 0 : i32
    %c0_i32_1 = arith.constant 0 : i32
    %c0_i32_2 = arith.constant 0 : i32
    return %c0_i32, %c0_i32_0, %c0_i32_1 : i32, i32, i32
  }
  func.func @transform_3(%arg0: i32) -> (i32, i32, i32) {
    %c0_i32 = arith.constant 0 : i32
    %c0_i32_0 = arith.constant 0 : i32
    %c0_i32_1 = arith.constant 0 : i32
    return %arg0, %c0_i32, %c0_i32_0 : i32, i32, i32
  }
}

</mosaic_0001>

<sc_bundles>
// kernel: kernel.5.cloned.1.call-start
scs
__scs_entry_jumppad:
0x0: {  	(pc) =	sbr.rel $0x88, $3  }
0x1: {  	(tag) =	ssettag $0x0;
	lr =	simm.s32 $0x1  }
0x2: {  	[smem:$0x3F9B] =	sst lr;
	_ =	strace $0xD0000000  }
0x3: {  	_ = 	snop  }
0x4: {  	_ = 	snop  }
0x5: {  	_ = 	snop  }
0x6: {  	_ = 	snop  }
0x7: {  	_ = 	snop  }
__scs_overlays_trampoline_lowered:
0x8: {  	[smem:$0x3FAA] =	sst s0  }
0x9: {  	[smem:$0x3FAB] =	sst s1  }
0xa: {  	[smem:$0x3FAC] =	sst s2  }
0xb: {  	[smem:$0x3FAD] =	sst s3  }
0xc: {  	[smem:$0x3FAE] =	sst s4  }
0xd: {  	[smem:$0x3FAF] =	sst s5  }
0xe: {  	[smem:$0x3FB0] =	sst s6  }
0xf: {  	[smem:$0x3FB1] =	sst s7  }
0x10: {  	[smem:$0x3FB2] =	sst s8  }
0x11: {  	[smem:$0x3FB3] =	sst s9;
	s0 =	simm.s32 @!p0 $0x0  }
0x12: {  	s1 =	sld [smem:$0x3F99];
	s0 =	simm.s32 @p0 $0x1  }
0x13: {  	[smem:$0x3FB4] =	sst s0;
	s0 =	simm.s32 @!p1 $0x0  }
0x14: {  	s2 =	sld [smem:$0x3F98];
	s0 =	simm.s32 @p1 $0x1  }
0x15: {  	[smem:$0x3FB5] =	sst s0;
	s0 =	simm.s32 @!p2 $0x0  }
0x16: {  	s3 =	sld [smem:$0x3FDB];
	s0 =	simm.s32 @p2 $0x1  }
0x17: {  	s4 =	simm.s32 $0x1BF5;
	[smem:$0x3FB7] =	sst s0  }
0x18: {  	s0 =	sld [smem:$0x3F9A];
	_ =	swait.ge [sflag:s4], $0x0  }
0x19: {  	s7 =	sld [smem:$0x3F9B]  }
0x1a: {  	s8 =	sadd.s32 $0xFFFFE003, lr  }
0x1b: {  	s9 =	sadd.s32 $0xFFFFFEF7, lr;
	s5 =	simm.s32 $0xFFFFFFFF;
	p2 =	slt.u32 s8, $0xFFFFF086  }
0x1c: {  	p1 =	slt.u32 s9, $0xF7A;
	s5 =	simm.s32 @!p2 $0x0  }
0x1d: {  	s5 =	simm.s32 @p1 $0x1;
	p0 =	seq.s32 s7, s2  }
0x1e: {  	s7 =	smul.u32 @!p0 $0xF7A, s2;
	p2 =	seq.s32 @!p0 s5, $0x0  }
0x1f: {  	s9 =	smul.u32 $0xF7A, s1;
	s8 =	simm.s32 @!p0 $0x1BF5;
	p2 =	por !p2, p0  }
0x20: {  	[sflag:s8] =	ssyncset.s32 @!p0 $0xFFFFF086;
	s6 =	sadd.s32 @!p0 s3, s7;
	s7 =	simm.s32 @!p0 $0x108  }
0x21: {  	s3 =	sadd.s32 s3, s9;
	s6 =	sadd.s32 @!p0 $0x88, s6;
	s7 =	simm.s32 @p2 $0x1082  }
0x22: {  	[simem:s7], [sflag:s8] =	dma.local @!p0 [hbm:s6], $0xF7A  }
0x23: {  	s9 =	sor.u32 $0xD0000000, s2;
	s6 =	simm.s32 $0x108;
	_ =	swait.ge @!p0 [sflag:s8], $0x0  }
0x24: {  	s3 =	sadd.s32 $0x88, s3;
	s6 =	simm.s32 @!p1 $0x1082;
	[sflag:s4] =	ssyncset.s32 $0xFFFFF086  }
0x25: {  	[simem:s6], [sflag:s4] =	dma.local [hbm:s3], $0xF7A  }
0x26: {  	[smem:$0x3F9B] =	sst s1;
	(tag) =	ssettag s2;
	_ =	strace s9  }
0x27: {  	s1 =	sld [smem:$0x3FAB]  }
0x28: {  	s2 =	sld [smem:$0x3FAC]  }
0x29: {  	s4 =	sld [smem:$0x3FAE]  }
0x2a: {  	p0 =	seq.s32 s5, $0x0;
	s5 =	sld [smem:$0x3FAF]  }
0x2b: {  	s6 =	sld [smem:$0x3FB0]  }
0x2c: {  	s7 =	sld [smem:$0x3FB1]  }
0x2d: {  	s3 =	simm.s32 $0x108;
	s8 =	sld [smem:$0x3FB2]  }
0x2e: {  	s3 =	simm.s32 @!p0 $0x1082;
	s9 =	sld [smem:$0x3FB3]  }
0x2f: {  	lr =	sadd.s32 s0, s3;
	s0 =	sld [smem:$0x3FAA]  }
0x30: {  	s3 =	sld [smem:$0x3FAD]  }
0x31: {  	[smem:$0x3FB6] =	sst s10  }
0x32: {  	s10 =	sld [smem:$0x3FB4];
	_ =	sdelay $0x3  }
0x33: {  	p0 =	seq.s32 s10, $0x1;
	s10 =	sld [smem:$0x3FB6];
	_ =	sdelay $0x3  }
0x34: {  	[smem:$0x3FB6] =	sst s10  }
0x35: {  	s10 =	sld [smem:$0x3FB5];
	_ =	sdelay $0x3  }
0x36: {  	p1 =	seq.s32 s10, $0x1;
	s10 =	sld [smem:$0x3FB6];
	_ =	sdelay $0x3  }
0x37: {  	[smem:$0x3FB6] =	sst s10  }
0x38: {  	s10 =	sld [smem:$0x3FB7]  }
0x39: {  	_ = 	snop;
	(pc) =	sbr.ind lr, $3  }
0x3a: {  	_ = 	snop  }
0x3b: {  	_ = 	snop  }
0x3c: {  	p2 =	seq.s32 s10, $0x1;
	s10 =	sld [smem:$0x3FB6]  }
0x3d: {  	_ =	shalt  }
0x3e: {  	_ =	shalt  }
0x3f: {  	_ =	shalt  }
0x40: {  	_ =	shalt  }
0x41: {  	_ =	shalt  }
0x42: {  	_ =	shalt  }
0x43: {  	_ =	shalt  }
0x44: {  	_ =	shalt  }
0x45: {  	_ =	shalt  }
0x46: {  	_ =	shalt  }
0x47: {  	_ =	shalt  }
0x48: {  	_ =	shalt  }
0x49: {  	_ =	shalt  }
0x4a: {  	_ =	shalt  }
0x4b: {  	_ =	shalt  }
0x4c: {  	_ =	shalt  }
0x4d: {  	_ =	shalt  }
0x4e: {  	_ =	shalt  }
0x4f: {  	_ =	shalt  }
0x50: {  	_ =	shalt  }
0x51: {  	_ =	shalt  }
0x52: {  	_ =	shalt  }
0x53: {  	_ =	shalt  }
0x54: {  	_ =	shalt  }
0x55: {  	_ =	shalt  }
0x56: {  	_ =	shalt  }
0x57: {  	_ =	shalt  }
0x58: {  	_ =	shalt  }
0x59: {  	_ =	shalt  }
0x5a: {  	_ =	shalt  }
0x5b: {  	_ =	shalt  }
0x5c: {  	_ =	shalt  }
0x5d: {  	_ =	shalt  }
0x5e: {  	_ =	shalt  }
0x5f: {  	_ =	shalt  }
0x60: {  	_ =	shalt  }
0x61: {  	_ =	shalt  }
0x62: {  	_ =	shalt  }
0x63: {  	_ =	shalt  }
0x64: {  	_ =	shalt  }
0x65: {  	_ =	shalt  }
0x66: {  	_ =	shalt  }
0x67: {  	_ =	shalt  }
0x68: {  	_ =	shalt  }
0x69: {  	_ =	shalt  }
0x6a: {  	_ =	shalt  }
0x6b: {  	_ =	shalt  }
0x6c: {  	_ =	shalt  }
0x6d: {  	_ =	shalt  }
0x6e: {  	_ =	shalt  }
0x6f: {  	_ =	shalt  }
0x70: {  	_ =	shalt  }
0x71: {  	_ =	shalt  }
0x72: {  	_ =	shalt  }
0x73: {  	_ =	shalt  }
0x74: {  	_ =	shalt  }
0x75: {  	_ =	shalt  }
0x76: {  	_ =	shalt  }
0x77: {  	_ =	shalt  }
0x78: {  	_ =	shalt  }
0x79: {  	_ =	shalt  }
0x7a: {  	_ =	shalt  }
0x7b: {  	_ =	shalt  }
0x7c: {  	_ =	shalt  }
0x7d: {  	_ =	shalt  }
0x7e: {  	_ =	shalt  }
0x7f: {  	_ =	shalt  }
0x80: {  	_ =	shalt  }
0x81: {  	_ =	shalt  }
0x82: {  	_ =	shalt  }
0x83: {  	_ =	shalt  }
0x84: {  	_ =	shalt  }
0x85: {  	_ =	shalt  }
0x86: {  	_ =	shalt  }
0x87: {  	_ =	shalt  }
.Lfunc_end0:
.L_simem_size_0:
called_computation_lowered:
.L_overlay_start_0:
0x88: {  	s2 =	sld [smem:$0x3FD9]  }
0x89: {  	s3 =	sld [smem:$0x3FFE];
	_ =	sdelay $0x1  }
0x8a: {  	s1 =	srdreg.scid  }
0x8b: {  	s0 =	sand.u32 $0x1, s1  }
0x8c: {  	s14 =	sshll.u32 s0, $0xA;
	s2 =	sadd.s32 s3, s2  }
0x8d: {  	s2 =	sadd.s32 s2, s14  }
0x8e: {  	[smem:$0x3FC2] =	sst s2  }
0x8f: {  	_ = 	snop  }
0x90: {  	s2 =	sld [smem:$0x3FD0];
	_ =	sdelay $0x2  }
0x91: {  	s15 =	simm.s32 $0xA;
	s4 =	simm.s32 $0x10  }
0x92: {  	[smem:s4], [sflag:s15] =	dma.local [hbm:s2], $0x1  }
0x93: {  	_ =	swait.eq [sflag:s15], $0x1  }
0x94: {  	s16 =	sld [smem:$0x12];
	[sflag:s15] =	ssyncset.done $0x0  }
0x95: {  	s17 =	sld [smem:$0x13];
	[sflag:s15] =	ssyncadd.s32 $0xFFFFFFFF  }
0x96: {  	s18 =	sld [smem:$0x14];
	(tm) =	ssettm $0x1  }
0x97: {  	s5 =	sld [smem:$0x3FFB];
	_ =	sdelay $0x3  }
0x98: {  	_ =	strace s5  }
0x99: {  	s5 =	sld [smem:$0x3FFC];
	_ =	sdelay $0x3  }
0x9a: {  	_ =	strace s5  }
0x9b: {  	s5 =	sld [smem:$0x3FFD];
	_ =	sdelay $0x3  }
0x9c: {  	_ =	strace s5  }
0x9d: {  	_ =	strace $0x8FFFFFFF  }
0x9e: {  	s19 =	sld [smem:$0x3FDB];
	_ =	sdelay $0x1  }
0x9f: {  	s6 =	simm.s32 $_scs_section_size  }
0xa0: {  	s7 =	simm.s32 $_size__tile_overlayer_lowered;
	s8 =	simm.s32 $_tile_overlayer_lowered  }
0xa1: {  	s22 =	simm.s32 $0x1BFF;
	s21 =	sshll.u32 s8, $0x1;
	s5 =	sadd.s32 s6, s19  }
0xa2: {  	s9 =	simm.s32 $0x0;
	s20 =	sshll.u32 s7, $0x1;
	s7 =	sadd.s32 s21, s5  }
0xa3: {  	[timem:s9], [sflag:s22] =	dma.local [hbm:s7], s20  }
0xa4: {  	_ =	swait.ge [sflag:s22], s20  }
0xa5: {  	s6 =	ssub.s32 $0x0, s20;
	[sflag:s22] =	ssyncset.done $0x0  }
0xa6: {  	[sflag:s22] =	ssyncadd.s32 s6;
	_ =	sdelay $0x1  }
0xa7: {  	s23 =	simm.s32 $0x1B8B  }
0xa8: {  	_ =	swait.ge [sflag:s23], $0x1  }
0xa9: {  	[sflag:s23] =	ssyncset.done $0x0  }
0xaa: {  	s25 =	simm.s32 $0x1B8E;
	s24 =	sld [smem:$0x3FFE];
	[sflag:s23] =	ssyncadd.s32 $0xFFFFFFFF  }
0xab: {  	s26 =	simm.s32 $execute0_lowered;
	[smem:$0x3FD2] =	sst s25  }
0xac: {  	s7 =	sshll.u32 s26, $0x1;
	_ =	strace $0x80000046;
	[dreg:$0x1] =	wrdreg $0xFFFFFFFF  }
0xad: {  	s28 =	simm.s32 $_size_execute0_lowered;
	s5 =	sadd.s32 s5, s7;
	[dreg:$0x0] =	wrdreg $0x0  }
0xae: {  	s7 =	sshll.u32 s28, $0x1;
	[dreg:$0x2] =	wrdreg s5  }
0xaf: {  	[dreg:$0x3] =	wrdreg s7  }
0xb0: {  	[dreg:$0x4] =	wrdreg $0xC0  }
0xb1: {  	_ =	task [dreg:s9], $0x5FFFF  }
0xb2: {  	[dreg:$0x1] =	wrdreg $0xFFFFFFFF  }
0xb3: {  	[dreg:$0x0] =	wrdreg $0x60  }
0xb4: {  	[dreg:$0x2] =	wrdreg s24  }
0xb5: {  	[dreg:$0x3] =	wrdreg s16  }
0xb6: {  	[dreg:$0x4] =	wrdreg s17  }
0xb7: {  	[dreg:$0x5] =	wrdreg s18  }
0xb8: {  	[dreg:$0x6] =	wrdreg $0x9  }
0xb9: {  	_ =	task.clear_ibuf [dreg:s9], $0x7FFFF;
	_ =	strace $0x90000046  }
0xba: {  	s29 =	simm.s32 $0x9;
	_ =	strace $0x80000048  }
0xbb: {  	_ =	swait.ge [sflag:s29], $0x1  }
0xbc: {  	[sflag:s29] =	ssyncadd.s32 $0xFFFFFFFF  }
0xbd: {  	_ =	strace $0x90000048  }
0xbe: {  	_ =	sfence  }
0xbf: {  	s30 =	sld [smem:$0x0];
	_ =	sdelay $0x2  }
0xc0: {  	s31 =	sshll.u32 s1, $0xD;
	s1 =	sshrl.u32 s1, $0x2  }
0xc1: {  	s3 =	sand.u32 $0x4000, s31;
	s1 =	sadd.s32 s1, s30  }
0xc2: {  	s0 =	sor.u32 s3, s0;
	s1 =	sshll.u32 s1, $0x11  }
0xc3: {  	s0 =	sor.u32 s1, s0  }
0xc4: {  	s0 =	sadd.s32 $0x8F2B, s0  }
0xc5: {  	[sflag:s0] =	ssyncadd.remote.s32 $0x1  }
0xc6: {  	_ =	sfence.sel $0xFFFF  }
0xc7: {  	[dreg:$0x0] =	wrdreg $0xFFFFFFFF;
	(pc) =	sbr.abs _section_cstart, $3  }
0xc8: {  	[dreg:$0x1] =	wrdreg $0xFFFFFFFF  }
0xc9: {  	_ =	task.clear_ibuf [dreg:s9], $0x2FFFF;
	_ =	strace $0x9FFFFFFF  }
0xca: {  	(tm) =	ssettm $0x7FFFFFFF  }
0xcb: {  	_ =	shalt  }
tec
execute0_lowered:
.L_overlay_start_1:
0x0: {  	(tag) =	ssettag $0x1  }
0x1: {  	s0 =	srdreg.scid  }
0x2: {  	s13 =	sand.u32 $0x1, s0;
	s0 =	stileid.u32  }
0x3: {  	s5 =	sor.u32 s0, s13  }
0x4: {  	p0 =	sne.s32 s5, $0x0  }
.Ltmp0:
0x5: {  	s12 =	rddreg [dreg:$0x0];
	(pc) =	sbr.rel @p0 .LBB2_4-.Ltmp0, $4  }
0x6: {  	s2 =	rddreg [dreg:$0x1]  }
0x7: {  	s3 =	rddreg [dreg:$0x2]  }
0x8: {  	s4 =	rddreg [dreg:$0x3]  }
0x9: {  	s1 =	rddreg [dreg:$0x4];
	_ =	strace $0x80000047  }
0xa: {  	s7 =	sadd.s32 $0x1200, s12;
	s6 =	simm.s32 $0x0;
	s5 =	simm.s32 $0x1  }
0xb: {  	[tilespmem:s6], [sflag:$0x1] =	stream.linear.gather [hbm4b:s7+s6], $0x100, $0x38;
	[tilespmem:$0x500] =	vst v63  }
0xc: {  	_ =	swait.ge [sflag:s5], $0x100  }
0xd: {  	[sflag:s5] =	ssyncset.done $0x0  }
0xe: {  	s8 =	sadd.s32 $0x1400, s12;
	s9 =	simm.s32 $0x100;
	[sflag:s5] =	ssyncadd.s32 $0xFFFFFF00  }
0xf: {  	[tilespmem:s9], [sflag:$0x1] =	stream.linear.gather [hbm4b:s8+s6], $0x80, $0x38;
	[tilespmem:$0x500] =	vst v63  }
0x10: {  	_ =	swait.ge [sflag:s5], $0x80  }
0x11: {  	[sflag:s5] =	ssyncset.done $0x0  }
0x12: {  	[sflag:s5] =	ssyncadd.s32 $0xFFFFFF80  }
0x13: {  	v0 =	vld [tilespmem:$0x0];
	_ =	sdelay $0x1  }
0x14: {  	v1 =	vld [tilespmem:$0x80];
	_ =	sdelay $0x2  }
0x15: {  	v0 =	vmul.f32 $4.882812500e-04, v0;
	_ =	sdelay $0x1  }
0x16: {  	v1 =	vmul.f32 $4.882812500e-04, v1;
	v3 =	vsub.f32 $0.0e+00, v0  }
0x17: {  	vm0 =	vmmov $0xff  }
0x18: {  	v4 =	vsub.f32 $0.0e+00, v1;
	v0 =	vnsel vm0, $0x0, v3  }
0x19: {  	(xrf2) =	vadd.scan.msk.f32 $0xffff, v0  }
0x1a: {  	v0 =	vnsel vm0, $0x0, v4  }
0x1b: {  	(xrf2) =	vadd.scan.msk.f32 $0xffff, v0;
	_ =	sdelay $0x7  }
0x1c: {  	v0, _, _ =	vpop (xrf2)  }
0x1d: {  	v0 =	vmul.f32 $1.250000000e-01, v0  }
0x1e: {  	v1, _, _ =	vpop (xrf2)  }
0x1f: {  	v1 =	vmul.f32 $1.250000000e-01, v1;
	v0 =	vbroadcast v0, $0xF;
	_ =	sdelay $0x1  }
0x20: {  	v1 =	vbroadcast v1, $0xF;
	v0 =	vsub.f32 v3, v0;
	_ =	sdelay $0x1  }
0x21: {  	v1 =	vsub.f32 v4, v1;
	v0 =	vnsel vm0, $0x0, v0  }
0x22: {  	v2 =	vmul.f32 v0, v0  }
0x23: {  	v1 =	vnsel vm0, $0x0, v1  }
0x24: {  	(xrf2) =	vadd.scan.msk.f32 $0xffff, v2;
	v2 =	vmul.f32 v1, v1;
	_ =	sdelay $0x1  }
0x25: {  	(xrf2) =	vadd.scan.msk.f32 $0xffff, v2;
	_ =	sdelay $0x7  }
0x26: {  	v2, _, _ =	vpop (xrf2)  }
0x27: {  	v2 =	vmul.f32 $1.428571490e-01, v2  }
0x28: {  	v5, _, _ =	vpop (xrf2)  }
0x29: {  	v2 =	vmax.f32 v2, $1.000000000e-30;
	v5 =	vmul.f32 $1.428571490e-01, v5  }
0x2a: {  	v2 =	vbroadcast v2, $0xF  }
0x2b: {  	v5 =	vmax.f32 v5, $1.000000000e-30  }
0x2c: {  	v6 =	vshra.s32 v2, $0x1;
	v7 =	vmul.f32 $5.000000000e-01, v2;
	v5 =	vbroadcast v5, $0xF  }
0x2d: {  	v6 =	vsub.s32 $0x5F3759DF, v6  }
0x2e: {  	v8 =	vmul.f32 v6, v7;
	v9 =	vshra.s32 v5, $0x1;
	v10 =	vmul.f32 $5.000000000e-01, v5  }
0x2f: {  	v9 =	vsub.s32 $0x5F3759DF, v9  }
0x30: {  	v8 =	vmul.f32 v6, v8;
	v11 =	vmul.f32 v9, v10;
	_ =	sdelay $0x1  }
0x31: {  	v8 =	vsub.f32 $1.500000000e+00, v8;
	v11 =	vmul.f32 v9, v11;
	_ =	sdelay $0x1  }
0x32: {  	v6 =	vmul.f32 v6, v8;
	v41 =	vsub.f32 $1.500000000e+00, v11;
	_ =	sdelay $0x1  }
0x33: {  	v42 =	vld [tilespmem:$0x100];
	v12 =	vmul.f32 v6, v7;
	v8 =	vmul.f32 v9, v41;
	_ =	sdelay $0x1  }
0x34: {  	v43 =	vmul.f32 v12, v6;
	v44 =	vmul.f32 v8, v10;
	_ =	sdelay $0x1  }
0x35: {  	v9 =	vsub.f32 $1.500000000e+00, v43;
	v12 =	vmul.f32 v44, v8  }
0x36: {  	v11 =	vsub.f32 $0.0e+00, v42  }
0x37: {  	v6 =	vmul.f32 v9, v6;
	v45 =	vsub.f32 $1.500000000e+00, v12  }
0x38: {  	v11 =	vmul.f32 $1.442695020e+00, v11  }
0x39: {  	v7 =	vmul.f32 v6, v7;
	v8 =	vmul.f32 v45, v8  }
0x3a: {  	(erf) = vpow2.f32 v11  }
0x3b: {  	v7 =	vmul.f32 v7, v6;
	v9 =	vmul.f32 v8, v10;
	_ =	sdelay $0x1  }
0x3c: {  	v7 =	vsub.f32 $1.500000000e+00, v7;
	v9 =	vmul.f32 v9, v8;
	_ =	sdelay $0x1  }
0x3d: {  	v6 =	vmul.f32 v7, v6;
	v46 =	vsub.f32 $1.500000000e+00, v9;
	_ =	sdelay $0x1  }
0x3e: {  	v2 =	vmul.f32 v6, v2;
	v47 =	vmul.f32 v46, v8;
	_ =	sdelay $0x1  }
0x3f: {  	v48 =	vpop (erf);
	v2 =	vadd.f32 $9.999999710e-10, v2;
	v5 =	vmul.f32 v47, v5  }
0x40: {  	v49 =	vadd.f32 $1.000000000e+00, v48  }
0x41: {  	(erf) = vrcp.f32 v2;
	v2 =	vadd.f32 $9.999999710e-10, v5  }
0x42: {  	(erf) = vrcp.f32 v49  }
0x43: {  	(erf) = vrcp.f32 v2;
	_ =	sdelay $0x6  }
0x44: {  	v2 =	vpop (erf)  }
0x45: {  	v5 =	vpop (erf)  }
0x46: {  	v2 =	vmul.f32 v2, v0;
	v0 =	vpop (erf)  }
0x47: {  	v1 =	vmul.f32 v0, v1  }
0x48: {  	vm1 =	vcmask $0x1F00;
	v50 =	vsub.f32 v2, v5  }
0x49: {  	v0 =	vimm.f32 $0.0e+00;
	v2 =	vnsel vm0, $0xF149F2CA, v4;
	v5 =	vsub.f32 v1, v5  }
0x4a: {  	v51 =	vnsel vm0, $0xF149F2CA, v3;
	(xrf0) =	vmax.scan.msk.f32 $0xffff, v2;
	v1 =	vsel vm1, $0x3F800000, v0;
	vm1 =	vgt.f32 v50, $0.0e+00  }
0x4b: {  	(xrf0) =	vmax.scan.msk.f32 $0xffff, v51;
	v52 =	vnsel vm1, $0x0, v1;
	vm1 =	vgt.f32 v5, $0.0e+00  }
0x4c: {  	(xrf2) =	vadd.scan.msk.f32 $0xffff, v52;
	v53 =	vnsel vm1, $0x0, v1  }
0x4d: {  	(xrf2) =	vadd.scan.msk.f32 $0xffff, v53;
	_ =	sdelay $0x4  }
0x4e: {  	v2, _, _ =	vpop (xrf0)  }
0x4f: {  	v54, _, _ =	vpop (xrf0)  }
0x50: {  	v55 =	vbroadcast v2, $0xF;
	v9 =	vbroadcast v54, $0xF;
	_ =	sdelay $0x1  }
0x51: {  	v2 =	vimm.s32 $0x0;
	vm1 =	vge.f32 v4, v55;
	vm2 =	vge.f32 v3, v9;
	v3, _, _ =	vpop (xrf2)  }
0x52: {  	vm1 =	vmand vm1, vm0;
	vm2 =	vmand vm2, vm0;
	vm3 =	veq.f32 v3, $0.0e+00;
	v3, _, _ =	vpop (xrf2)  }
0x53: {  	v4 =	vmctz.xlane vm1;
	v56 =	vsel vm3, $0x1, v2;
	vm1 =	veq.f32 v3, $0.0e+00  }
0x54: {  	v57 =	vmctz.xlane vm2;
	v9 =	vbroadcast v56, $0xF;
	v58 =	vsel vm1, $0x1, v2  }
0x55: {  	v3 =	vlaneseq.u32;
	v11 =	vbroadcast v58, $0xF  }
0x56: {  	vm1 =	veq.s32 v4, v3;
	vm2 =	veq.s32 v57, v3;
	v4 =	vand.u32 $0x1, v9  }
0x57: {  	v59 =	vsel vm2, $0x3F800000, v0;
	vm2 =	veq.s32 v4, $0x1;
	v60 =	vand.u32 $0x1, v11  }
0x58: {  	v61 =	vsel vm1, $0x3F800000, v0;
	v7 =	vsel vm2, v59, v52;
	vm1 =	veq.s32 v60, $0x1  }
0x59: {  	(xrf2) =	vadd.scan.msk.f32 $0xffff, v7;
	v8 =	vsel vm1, v61, v53  }
0x5a: {  	(xrf2) =	vadd.scan.msk.f32 $0xffff, v8;
	_ =	sdelay $0x8  }
0x5b: {  	v62, _, _ =	vpop (xrf2)  }
0x5c: {  	v9 =	vmax.f32 v62, $1.000000000e+00;
	v63, _, _ =	vpop (xrf2)  }
0x5d: {  	v9 =	vbroadcast v9, $0xF;
	v11 =	vmax.f32 v63, $1.000000000e+00  }
0x5e: {  	v11 =	vbroadcast v11, $0xF  }
0x5f: {  	(erf) = vrcp.f32 v9  }
0x60: {  	(erf) = vrcp.f32 v11;
	_ =	sdelay $0x5  }
0x61: {  	[tilespmem:$0x180] =	vst v50  }
0x62: {  	[tilespmem:$0x200] =	vst v5  }
0x63: {  	[tilespmem:$0x280] =	vst v7;
	v4 =	vadd.s32 v4, v60;
	v5 =	vpop (erf)  }
0x64: {  	[tilespmem:$0x480] =	vst v4;
	v4 =	vmul.f32 v5, v7;
	v5 =	vpop (erf)  }
0x65: {  	[tilespmem:$0x300] =	vst v8;
	v5 =	vmul.f32 v5, v8  }
0x66: {  	[tilespmem:$0x380] =	vst v4  }
0x67: {  	s10 =	simm.s32 $0x180;
	[tilespmem:$0x400] =	vst v5  }
0x68: {  	[hbm4b:s2+s6] =	stream.linear.scatter [tilespmem:s10], [sflag:$0x1], $0x100, $0x38;
	[tilespmem:$0x500] =	vst v63  }
0x69: {  	_ =	swait.ge [sflag:s5], $0x100  }
0x6a: {  	s14 =	ssub.s32 $0x2, s13;
	[sflag:s5] =	ssyncset.done $0x0  }
0x6b: {  	s11 =	simm.s32 $0x280;
	s15 =	sshrl.u32 s14, $0x1;
	[sflag:s5] =	ssyncadd.s32 $0xFFFFFF00  }
0x6c: {  	[hbm4b:s3+s6] =	stream.linear.scatter [tilespmem:s11], [sflag:$0x1], $0x100, $0x38;
	[tilespmem:$0x500] =	vst v63  }
0x6d: {  	s15 =	ssub.s32 s14, s15;
	_ =	swait.ge [sflag:s5], $0x100  }
0x6e: {  	s12 =	sadd.s32 $0x1600, s12;
	p0 =	sne.s32 s15, $0x1;
	[sflag:s5] =	ssyncset.done $0x0  }
.Ltmp1:
0x6f: {  	s13 =	simm.s32 $0x380;
	[sflag:s5] =	ssyncadd.s32 $0xFFFFFF00;
	(pc) =	sbr.rel @!p0 .LBB2_3-.Ltmp1, $4  }
0x70: {  	[hbm4b:s12+s6] =	stream.linear.scatter [tilespmem:s13], [sflag:$0x1], $0x100, $0x38;
	[tilespmem:$0x500] =	vst v63  }
0x71: {  	_ =	swait.ge [sflag:s5], $0x100  }
0x72: {  	[sflag:s5] =	ssyncset.done $0x0  }
0x73: {  	s14 =	simm.s32 $0x480;
	s15 =	sadd.s32 $0xFFFFFFFF, s15;
	[sflag:s5] =	ssyncadd.s32 $0xFFFFFF00  }
.LBB2_2:
0x74: {  	[hbm4b:s4+s6] =	stream.linear.scatter [tilespmem:s14], [sflag:$0x1], $0x80, $0x38;
	[tilespmem:$0x500] =	vst v63  }
0x75: {  	p0 =	sne.s32 s15, $0x1;
	s15 =	sadd.s32 $0xFFFFFFFF, s15;
	_ =	swait.ge [sflag:s5], $0x80  }
0x76: {  	[sflag:s5] =	ssyncset.done $0x0  }
0x77: {  	[sflag:s5] =	ssyncadd.s32 $0xFFFFFF80  }
0x78: {  	[tilespmem:s6], [sflag:$0x1] =	stream.linear.gather [hbm4b:s7+s6], $0x100, $0x38;
	[tilespmem:$0x500] =	vst v63  }
0x79: {  	_ =	swait.ge [sflag:s5], $0x100  }
0x7a: {  	[sflag:s5] =	ssyncset.done $0x0  }
0x7b: {  	[sflag:s5] =	ssyncadd.s32 $0xFFFFFF00  }
0x7c: {  	[tilespmem:s9], [sflag:$0x1] =	stream.linear.gather [hbm4b:s8+s6], $0x80, $0x38;
	[tilespmem:$0x500] =	vst v63  }
0x7d: {  	_ =	swait.ge [sflag:s5], $0x80  }
0x7e: {  	[sflag:s5] =	ssyncset.done $0x0  }
0x7f: {  	[sflag:s5] =	ssyncadd.s32 $0xFFFFFF80  }
0x80: {  	v4 =	vld [tilespmem:$0x0]  }
0x81: {  	v5 =	vld [tilespmem:$0x80]  }
0x82: {  	v6 =	vld [tilespmem:$0x100];
	_ =	sdelay $0x2  }
0x83: {  	v4 =	vmul.f32 $4.882812500e-04, v4  }
0x84: {  	v5 =	vmul.f32 $4.882812500e-04, v5  }
0x85: {  	v6 =	vsub.f32 $0.0e+00, v6;
	v4 =	vsub.f32 $0.0e+00, v4  }
0x86: {  	v5 =	vsub.f32 $0.0e+00, v5  }
0x87: {  	v6 =	vmul.f32 $1.442695020e+00, v6;
	v7 =	vnsel vm0, $0x0, v4;
	v8 =	vnsel vm0, $0xF149F2CA, v4  }
0x88: {  	v9 =	vnsel vm0, $0x0, v5;
	v10 =	vnsel vm0, $0xF149F2CA, v5;
	(xrf2) =	vadd.scan.msk.f32 $0xffff, v7  }
0x89: {  	(xrf0) =	vmax.scan.msk.f32 $0xffff, v10  }
0x8a: {  	(erf) = vpow2.f32 v6;
	(xrf0) =	vmax.scan.msk.f32 $0xffff, v8  }
0x8b: {  	(xrf2) =	vadd.scan.msk.f32 $0xffff, v9;
	_ =	sdelay $0x3  }
0x8c: {  	v6, _, _ =	vpop (xrf0)  }
0x8d: {  	v8 =	vbroadcast v6, $0xF;
	v7, _, _ =	vpop (xrf0)  }
0x8e: {  	v9 =	vbroadcast v7, $0xF  }
0x8f: {  	vm1 =	vge.f32 v5, v8;
	v6, _, _ =	vpop (xrf2)  }
0x90: {  	v6 =	vmul.f32 $1.250000000e-01, v6;
	vm2 =	vge.f32 v4, v9;
	vm1 =	vmand vm1, vm0;
	v7 =	vpop (erf)  }
0x91: {  	v7 =	vadd.f32 $1.000000000e+00, v7;
	vm2 =	vmand vm2, vm0;
	v8 =	vmctz.xlane vm1  }
0x92: {  	v6 =	vbroadcast v6, $0xF;
	v9 =	vmctz.xlane vm2;
	v10, _, _ =	vpop (xrf2)  }
0x93: {  	v10 =	vmul.f32 $1.250000000e-01, v10;
	vm1 =	veq.s32 v8, v3  }
0x94: {  	v4 =	vsub.f32 v4, v6;
	vm2 =	veq.s32 v9, v3  }
0x95: {  	v6 =	vbroadcast v10, $0xF  }
0x96: {  	v4 =	vnsel vm0, $0x0, v4  }
0x97: {  	v8 =	vmul.f32 v4, v4;
	v5 =	vsub.f32 v5, v6;
	_ =	sdelay $0x1  }
0x98: {  	v5 =	vnsel vm0, $0x0, v5;
	(xrf2) =	vadd.scan.msk.f32 $0xffff, v8  }
0x99: {  	v6 =	vmul.f32 v5, v5;
	_ =	sdelay $0x1  }
0x9a: {  	(xrf2) =	vadd.scan.msk.f32 $0xffff, v6;
	_ =	sdelay $0x6  }
0x9b: {  	v6, _, _ =	vpop (xrf2)  }
0x9c: {  	v6 =	vmul.f32 $1.428571490e-01, v6;
	_ =	sdelay $0x1  }
0x9d: {  	v6 =	vmax.f32 v6, $1.000000000e-30;
	v8, _, _ =	vpop (xrf2)  }
0x9e: {  	v6 =	vbroadcast v6, $0xF;
	v8 =	vmul.f32 $1.428571490e-01, v8;
	_ =	sdelay $0x1  }
0x9f: {  	v9 =	vshra.s32 v6, $0x1;
	v10 =	vmul.f32 $5.000000000e-01, v6;
	v8 =	vmax.f32 v8, $1.000000000e-30  }
0xa0: {  	v9 =	vsub.s32 $0x5F3759DF, v9;
	v8 =	vbroadcast v8, $0xF  }
0xa1: {  	v11 =	vmul.f32 v9, v10  }
0xa2: {  	v12 =	vshra.s32 v8, $0x1;
	v13 =	vmul.f32 $5.000000000e-01, v8  }
0xa3: {  	v11 =	vmul.f32 v9, v11;
	v12 =	vsub.s32 $0x5F3759DF, v12  }
0xa4: {  	v14 =	vmul.f32 v12, v13  }
0xa5: {  	v11 =	vsub.f32 $1.500000000e+00, v11  }
0xa6: {  	v14 =	vmul.f32 v12, v14  }
0xa7: {  	v9 =	vmul.f32 v9, v11  }
0xa8: {  	v11 =	vsub.f32 $1.500000000e+00, v14  }
0xa9: {  	v14 =	vmul.f32 v9, v10  }
0xaa: {  	v11 =	vmul.f32 v12, v11  }
0xab: {  	v12 =	vmul.f32 v14, v9  }
0xac: {  	v14 =	vmul.f32 v11, v13  }
0xad: {  	v12 =	vsub.f32 $1.500000000e+00, v12  }
0xae: {  	v14 =	vmul.f32 v14, v11  }
0xaf: {  	v9 =	vmul.f32 v12, v9  }
0xb0: {  	v12 =	vsub.f32 $1.500000000e+00, v14  }
0xb1: {  	v10 =	vmul.f32 v9, v10  }
0xb2: {  	v11 =	vmul.f32 v12, v11  }
0xb3: {  	v10 =	vmul.f32 v10, v9  }
0xb4: {  	v12 =	vmul.f32 v11, v13  }
0xb5: {  	v10 =	vsub.f32 $1.500000000e+00, v10  }
0xb6: {  	v12 =	vmul.f32 v12, v11  }
0xb7: {  	v9 =	vmul.f32 v10, v9  }
0xb8: {  	v10 =	vsub.f32 $1.500000000e+00, v12  }
0xb9: {  	v6 =	vmul.f32 v9, v6  }
0xba: {  	v9 =	vmul.f32 v10, v11  }
0xbb: {  	v6 =	vadd.f32 $9.999999710e-10, v6  }
0xbc: {  	v8 =	vmul.f32 v9, v8  }
0xbd: {  	(erf) = vrcp.f32 v6  }
0xbe: {  	v6 =	vadd.f32 $9.999999710e-10, v8  }
0xbf: {  	(erf) = vrcp.f32 v7  }
0xc0: {  	(erf) = vrcp.f32 v6;
	_ =	sdelay $0x5  }
0xc1: {  	v6 =	vpop (erf)  }
0xc2: {  	v4 =	vmul.f32 v6, v4  }
0xc3: {  	v6 =	vpop (erf)  }
0xc4: {  	v4 =	vsub.f32 v4, v6;
	v7 =	vpop (erf)  }
0xc5: {  	v5 =	vmul.f32 v7, v5  }
0xc6: {  	vm3 =	vgt.f32 v4, $0.0e+00;
	[tilespmem:$0x180] =	vst v4  }
0xc7: {  	v4 =	vnsel vm3, $0x0, v1;
	v5 =	vsub.f32 v5, v6  }
0xc8: {  	(xrf2) =	vadd.scan.msk.f32 $0xffff, v4  }
0xc9: {  	vm3 =	vgt.f32 v5, $0.0e+00;
	[tilespmem:$0x200] =	vst v5  }
0xca: {  	v5 =	vnsel vm3, $0x0, v1  }
0xcb: {  	(xrf2) =	vadd.scan.msk.f32 $0xffff, v5;
	_ =	sdelay $0x6  }
0xcc: {  	v6, _, _ =	vpop (xrf2)  }
0xcd: {  	vm3 =	veq.f32 v6, $0.0e+00  }
0xce: {  	v6 =	vsel vm3, $0x1, v2  }
0xcf: {  	v6 =	vbroadcast v6, $0xF;
	v7, _, _ =	vpop (xrf2)  }
0xd0: {  	vm3 =	veq.f32 v7, $0.0e+00  }
0xd1: {  	v7 =	vsel vm2, $0x3F800000, v0;
	v6 =	vand.u32 $0x1, v6;
	v8 =	vsel vm3, $0x1, v2  }
0xd2: {  	v9 =	vsel vm1, $0x3F800000, v0;
	vm2 =	veq.s32 v6, $0x1;
	v8 =	vbroadcast v8, $0xF  }
0xd3: {  	v4 =	vsel vm2, v7, v4  }
0xd4: {  	[tilespmem:$0x280] =	vst v4;
	v7 =	vand.u32 $0x1, v8;
	(xrf2) =	vadd.scan.msk.f32 $0xffff, v4  }
0xd5: {  	vm1 =	veq.s32 v7, $0x1;
	v6 =	vadd.s32 v6, v7  }
0xd6: {  	v5 =	vsel vm1, v9, v5;
	[tilespmem:$0x480] =	vst v6  }
0xd7: {  	[tilespmem:$0x300] =	vst v5;
	(xrf2) =	vadd.scan.msk.f32 $0xffff, v5;
	_ =	sdelay $0x6  }
0xd8: {  	v6, _, _ =	vpop (xrf2)  }
0xd9: {  	v6 =	vmax.f32 v6, $1.000000000e+00  }
0xda: {  	v6 =	vbroadcast v6, $0xF  }
0xdb: {  	v7, _, _ =	vpop (xrf2)  }
0xdc: {  	v7 =	vmax.f32 v7, $1.000000000e+00;
	(erf) = vrcp.f32 v6  }
0xdd: {  	v6 =	vbroadcast v7, $0xF;
	_ =	sdelay $0x1  }
0xde: {  	(erf) = vrcp.f32 v6;
	_ =	sdelay $0x5  }
0xdf: {  	v6 =	vpop (erf)  }
0xe0: {  	v6 =	vmul.f32 v6, v4;
	_ =	sdelay $0x1  }
0xe1: {  	[tilespmem:$0x380] =	vst v6;
	v4 =	vpop (erf)  }
0xe2: {  	v4 =	vmul.f32 v4, v5;
	_ =	sdelay $0x1  }
0xe3: {  	[tilespmem:$0x400] =	vst v4  }
0xe4: {  	[hbm4b:s2+s6] =	stream.linear.scatter [tilespmem:s10], [sflag:$0x1], $0x100, $0x38;
	[tilespmem:$0x500] =	vst v63  }
0xe5: {  	_ =	swait.ge [sflag:s5], $0x100  }
0xe6: {  	[sflag:s5] =	ssyncset.done $0x0  }
0xe7: {  	[sflag:s5] =	ssyncadd.s32 $0xFFFFFF00  }
0xe8: {  	[hbm4b:s3+s6] =	stream.linear.scatter [tilespmem:s11], [sflag:$0x1], $0x100, $0x38;
	[tilespmem:$0x500] =	vst v63  }
0xe9: {  	_ =	swait.ge [sflag:s5], $0x100  }
0xea: {  	[sflag:s5] =	ssyncset.done $0x0  }
.Ltmp2:
0xeb: {  	[sflag:s5] =	ssyncadd.s32 $0xFFFFFF00;
	(pc) =	sbr.rel @p0 .LBB2_2-.Ltmp2, $4  }
0xec: {  	[hbm4b:s12+s6] =	stream.linear.scatter [tilespmem:s13], [sflag:$0x1], $0x100, $0x38;
	[tilespmem:$0x500] =	vst v63  }
0xed: {  	_ =	swait.ge [sflag:s5], $0x100  }
0xee: {  	[sflag:s5] =	ssyncset.done $0x0  }
0xef: {  	[sflag:s5] =	ssyncadd.s32 $0xFFFFFF00  }
.LBB2_3:
0xf0: {  	[hbm4b:s4+s6] =	stream.linear.scatter [tilespmem:s14], [sflag:$0x1], $0x80, $0x38;
	[tilespmem:$0x500] =	vst v63  }
0xf1: {  	_ =	swait.ge [sflag:s5], $0x80  }
0xf2: {  	[sflag:s5] =	ssyncset.done $0x0  }
0xf3: {  	[sflag:s5] =	ssyncadd.s32 $0xFFFFFF80  }
.LBB2_4:
0xf4: {  	_ =	sfence.sel $0x180000  }
0xf5: {  	[bflag:$0x0] =	sbarrier.arrive $0xFFFF  }
0xf6: {  	p0 =	sne.s32 s0, $0x0;
	_ =	strace $0x90000047  }
0xf7: {  	s0 =	sadd.s32 @!p0 $0x100000, s1;
	[bflag:$0x2] =	sbarrier.arrive $0xFFFF  }
0xf8: {  	[sflag:s0] =	ssyncadd.tile.s32 @!p0 $0x1;
	_ =	shalt  }
.Lfunc_end2:
_tile_overlayer_lowered:
.L_overlay_start_2:
0xf9: {  	(tag) =	ssettag $0x2  }
0xfa: {  	s0 =	rddreg [dreg:$0x0];
	s2 =	stileid.u32  }
0xfb: {  	s1 =	rddreg [dreg:$0x1];
	p0 =	sne.s32 s2, $0x0  }
0xfc: {  	s3 =	rddreg [dreg:$0x2];
	[bflag:$0x3] =	sbarrier.arrive $0xFFFF;
	s2 =	simm.s32 @!p0 $0x1C01  }
0xfd: {  	[timem:s3], [sflag:s2] =	dma.local @!p0 [hbm:s0], s1  }
0xfe: {  	s0 =	simm.s32 @!p0 $0x1  }
0xff: {  	_ =	swait.ge @!p0 [sflag:s0], s1  }
0x100: {  	s1 =	ssub.s32 @!p0 $0x0, s1;
	[sflag:s0] =	ssyncset.done @!p0 $0x0  }
0x101: {  	[sflag:s0] =	ssyncadd.s32 @!p0 s1  }
0x102: {  	[bflag:$0x3] =	sbarrier.arrive $0xFFFF  }
0x103: {  	_ =	shalt  }

</sc_bundles>
